<compile_context>
chip_gen: v7x
topology: tpu7x:2x2x1
jax: 0.10.2.dev20260603
libtpu: 0.0.44.dev20260713+nightly
codegen_flags: <defaults>
</compile_context>

<pallas_src>
import functools

import jax
import jax.numpy as jnp
from jax import lax
from jax.experimental import pallas as pl
from jax.experimental.pallas import tpu as pltpu
from jax.experimental.pallas import tpu_sc as plsc

N = 10000
E = 320000
D = 128

_info = plsc.get_sparse_core_info()
NC = _info.num_cores
NS = _info.num_subcores
L = _info.num_lanes
NW = NC * NS
EPW = E // NW
K = 80
NCHUNK = EPW // K
RPT = N // NS

_mesh = plsc.VectorSubcoreMesh(core_axis_name="c", subcore_axis_name="s")


def _deg_body(src3, dst3, zeros1, dout_hbm, din_hbm,
              sidx, didx, ones_v, dout_sh, din_sh):
    cid = lax.axis_index("c")
    sid = lax.axis_index("s")
    wid = sid * NC + cid

    @pl.when(sid == 0)
    def _():
        pltpu.sync_copy(zeros1, dout_sh)
        pltpu.sync_copy(zeros1, din_sh)

    for j in range(K // L):
        ones_v[pl.ds(j * L, L)] = jnp.full((L,), 1.0, jnp.float32)
    pltpu.sync_copy(src3.at[wid], sidx)
    pltpu.sync_copy(dst3.at[wid], didx)
    plsc.subcore_barrier()

    def chunk(i, carry):
        pltpu.sync_copy(ones_v, dout_sh.at[sidx.at[i]], add=True)
        pltpu.sync_copy(ones_v, din_sh.at[didx.at[i]], add=True)
        return carry

    lax.fori_loop(0, NCHUNK, chunk, 0)
    plsc.subcore_barrier()

    @pl.when(sid == 0)
    def _():
        pltpu.sync_copy(dout_sh, dout_hbm.at[cid])
        pltpu.sync_copy(din_sh, din_hbm.at[cid])


_deg_kernel = pl.kernel(
    _deg_body,
    out_type=(jax.ShapeDtypeStruct((NC, N), jnp.float32),
              jax.ShapeDtypeStruct((NC, N), jnp.float32)),
    mesh=_mesh,
    scratch_types=[
        pltpu.VMEM((NCHUNK, K), jnp.int32),
        pltpu.VMEM((NCHUNK, K), jnp.int32),
        pltpu.VMEM((K,), jnp.float32),
        pltpu.VMEM_SHARED((N,), jnp.float32),
        pltpu.VMEM_SHARED((N,), jnp.float32),
    ],
)


def _agg_body(hs_hbm, srcf, dst3, zeros2, out_hbm,
              sidx, didx, rows0, rows1, accum_sh, sem0, sem1):
    cid = lax.axis_index("c")
    sid = lax.axis_index("s")
    wid = sid * NC + cid
    rbase = sid * RPT

    pltpu.sync_copy(zeros2, accum_sh.at[pl.ds(rbase, RPT)])
    pltpu.sync_copy(srcf.at[pl.ds(wid * EPW, EPW)], sidx)
    pltpu.sync_copy(dst3.at[wid], didx)
    plsc.subcore_barrier()

    def gidx(i):
        return sidx.at[pl.ds(i * K, K)]

    pltpu.async_copy(hs_hbm.at[gidx(0)], rows0, sem0)

    def pair(p, carry):
        a = 2 * p
        b = a + 1
        pltpu.async_copy(hs_hbm.at[gidx(b)], rows1, sem1)
        pltpu.make_async_copy(hs_hbm.at[gidx(a)], rows0, sem0).wait()
        pltpu.sync_copy(rows0, accum_sh.at[didx.at[a]], add=True)
        pltpu.async_copy(hs_hbm.at[gidx(a + 2)], rows0, sem0)
        pltpu.make_async_copy(hs_hbm.at[gidx(b)], rows1, sem1).wait()
        pltpu.sync_copy(rows1, accum_sh.at[didx.at[b]], add=True)
        return carry

    lax.fori_loop(0, (NCHUNK - 1) // 2, pair, 0)
    last = NCHUNK - 1
    pltpu.make_async_copy(hs_hbm.at[gidx(last)], rows0, sem0).wait()
    pltpu.sync_copy(rows0, accum_sh.at[didx.at[last]], add=True)

    plsc.subcore_barrier()
    pltpu.sync_copy(accum_sh.at[pl.ds(rbase, RPT)], out_hbm.at[cid, sid])


_agg_kernel = pl.kernel(
    _agg_body,
    out_type=jax.ShapeDtypeStruct((NC, NS, RPT, D), jnp.float32),
    mesh=_mesh,
    scratch_types=[
        pltpu.VMEM((EPW,), jnp.int32),
        pltpu.VMEM((NCHUNK, K), jnp.int32),
        pltpu.VMEM((K, D), jnp.float32),
        pltpu.VMEM((K, D), jnp.float32),
        pltpu.VMEM_SHARED((N, D), jnp.float32),
        pltpu.SemaphoreType.DMA,
        pltpu.SemaphoreType.DMA,
    ],
)


RB = 2000
GRID = N // RB


def _scale_body(do_ref, di_ref, f_ref, hs_ref, rs_ref, ri_ref):
    do = do_ref[0] + do_ref[1]
    di = di_ref[0] + di_ref[1]
    rs = lax.rsqrt(jnp.maximum(do, 1.0))
    ri = lax.rsqrt(jnp.maximum(di, 1.0))
    rs_ref[...] = rs
    ri_ref[...] = ri
    hs_ref[...] = f_ref[...] * rs


def _scale_call(dout, din, features):
    return pl.pallas_call(
        _scale_body,
        grid=(GRID,),
        in_specs=[
            pl.BlockSpec((NC, RB, 1), lambda i: (0, i, 0)),
            pl.BlockSpec((NC, RB, 1), lambda i: (0, i, 0)),
            pl.BlockSpec((RB, D), lambda i: (i, 0)),
        ],
        out_specs=[
            pl.BlockSpec((RB, D), lambda i: (i, 0)),
            pl.BlockSpec((RB, 1), lambda i: (i, 0)),
            pl.BlockSpec((RB, 1), lambda i: (i, 0)),
        ],
        out_shape=[
            jax.ShapeDtypeStruct((N, D), jnp.float32),
            jax.ShapeDtypeStruct((N, 1), jnp.float32),
            jax.ShapeDtypeStruct((N, 1), jnp.float32),
        ],
    )(dout.reshape(NC, N, 1), din.reshape(NC, N, 1), features)


def _mm_body(apply_rs, p_ref, ri_ref, rs_ref, w_ref, b_ref, o_ref):
    x = (p_ref[0] + p_ref[1]) * ri_ref[...]
    y = jnp.dot(x, w_ref[...], preferred_element_type=jnp.float32)
    y = jnp.maximum(y + b_ref[...], 0.0)
    if apply_rs:
        y = y * rs_ref[...]
    o_ref[...] = y


def _mm_call(p, ri, rs, w, b, apply_rs):
    return pl.pallas_call(
        functools.partial(_mm_body, apply_rs),
        grid=(GRID,),
        in_specs=[
            pl.BlockSpec((NC, RB, D), lambda i: (0, i, 0)),
            pl.BlockSpec((RB, 1), lambda i: (i, 0)),
            pl.BlockSpec((RB, 1), lambda i: (i, 0)),
            pl.BlockSpec((D, D), lambda i: (0, 0)),
            pl.BlockSpec((1, D), lambda i: (0, 0)),
        ],
        out_specs=pl.BlockSpec((RB, D), lambda i: (i, 0)),
        out_shape=jax.ShapeDtypeStruct((N, D), jnp.float32),
    )(p, ri, rs, w, b.reshape(1, D))


def kernel(features, edge_index, W0, b0, W1, b1, W2, b2):
    srcf = edge_index[0]
    src3 = srcf.reshape(NW, NCHUNK, K)
    dst3 = edge_index[1].reshape(NW, NCHUNK, K)
    zeros1 = jnp.zeros((N,), jnp.float32)
    zeros2 = jnp.zeros((RPT, D), jnp.float32)

    dout, din = _deg_kernel(src3, dst3, zeros1)
    hs, rs, ri = _scale_call(dout, din, features)

    for w, b, last in ((W0, b0, False), (W1, b1, False), (W2, b2, True)):
        p = _agg_kernel(hs, srcf, dst3, zeros2).reshape(NC, N, D)
        hs = _mm_call(p, ri, rs, w, b, apply_rs=not last)
    return hs

# --- scband reference (transcript-rebuilt; emitter-appended) ---
"""Pipeline reference for scband-gcnnet-21912923144255 (READ-ONLY COPY).

The authoritative reference and input builder live on the scoring server;
editing this copy changes nothing except your own understanding.
"""

import jax, jax.numpy as jnp
import numpy as np

N_NODES = 10000
N_EDGES = 320000
IN_DIM = 128
HIDDEN_DIM = 128
OUT_DIM = 128


def setup_inputs(seed: int = 0) -> dict:
    key = jax.random.key(seed)
    ks = jax.random.split(key, 8)
    features = jax.random.normal(ks[0], (N_NODES, IN_DIM), dtype=jnp.float32)
    edge_index = jax.random.randint(ks[1], (2, N_EDGES), 0, N_NODES, dtype=jnp.int32)
    s0 = 1.0 / np.sqrt(IN_DIM)
    s1 = 1.0 / np.sqrt(HIDDEN_DIM)
    W0 = jax.random.normal(ks[2], (IN_DIM, HIDDEN_DIM), dtype=jnp.float32) * s0
    b0 = jnp.zeros((HIDDEN_DIM,), dtype=jnp.float32)
    W1 = jax.random.normal(ks[3], (HIDDEN_DIM, HIDDEN_DIM), dtype=jnp.float32) * s1
    b1 = jnp.zeros((HIDDEN_DIM,), dtype=jnp.float32)
    W2 = jax.random.normal(ks[4], (HIDDEN_DIM, OUT_DIM), dtype=jnp.float32) * s1
    b2 = jnp.zeros((OUT_DIM,), dtype=jnp.float32)
    return {"features": features, "edge_index": edge_index,
            "W0": W0, "b0": b0, "W1": W1, "b1": b1, "W2": W2, "b2": b2}


def reference(features, edge_index, W0, b0, W1, b1, W2, b2):
    # GCNNet forward: 3 GCN layers (symmetric-normalized aggregation + linear),
    # each followed by ReLU, matching F.relu(layer(g, x)) in the torch module.
    src = edge_index[0]
    dst = edge_index[1]
    N = features.shape[0]
    deg_out = jnp.zeros((N,), jnp.float32).at[src].add(1.0)
    deg_in = jnp.zeros((N,), jnp.float32).at[dst].add(1.0)
    deg_out = jnp.maximum(deg_out, 1.0)
    deg_in = jnp.maximum(deg_in, 1.0)
    norm = jax.lax.rsqrt(deg_out[src] * deg_in[dst])  # [E]

    def gcn_layer(h, W, b):
        m = jnp.take(h, src, axis=0) * norm[:, None]            # gather  [E, d]
        agg = jnp.zeros((N, h.shape[1]), h.dtype).at[dst].add(m)  # scatter-add [N, d]
        return jax.nn.relu(agg @ W + b)

    h = gcn_layer(features, W0, b0)
    h = gcn_layer(h, W1, b1)
    h = gcn_layer(h, W2, b2)
    return h

if __name__ == "__main__":
    import jax
    _d = setup_inputs()
    print(jax.jit(kernel)(*tuple(_d.values())))

</pallas_src>

<mosaic_0001>
#map = affine_map<(d0, d1) -> (0, 0, 0)>
#map1 = affine_map<(d0, d1) -> (0)>
#map2 = affine_map<(d0, d1) -> (0, 0)>
module attributes {stable_mosaic.version = 14 : i64} {
  func.func @_deg_body(%arg0: i32, %arg1: i32, %arg2: memref<32x125x80xi32, #tpu.memory_space<hbm>>, %arg3: memref<32x125x80xi32, #tpu.memory_space<hbm>>, %arg4: memref<10000xf32, #tpu.memory_space<hbm>>, %arg5: memref<2x10000xf32, #tpu.memory_space<hbm>>, %arg6: memref<2x10000xf32, #tpu.memory_space<hbm>>, %arg7: memref<125x80xi32, #tpu.memory_space<vmem>>, %arg8: memref<125x80xi32, #tpu.memory_space<vmem>>, %arg9: memref<80xf32, #tpu.memory_space<vmem>>, %arg10: memref<10000xf32, #tpu.memory_space<vmem_shared>>, %arg11: memref<10000xf32, #tpu.memory_space<vmem_shared>>) attributes {dimension_semantics = [#tpu.dimension_semantics<core_parallel>, #tpu.dimension_semantics<subcore_parallel>], iteration_bounds = array<i64: 2, 16>, scalar_prefetch = 0 : i64, scratch_operands = 5 : i64, tpu.core_type = #tpu.core_type<sc_vector_subcore>, window_params = [{transform_indices = #map}, {transform_indices = #map}, {transform_indices = #map1}, {transform_indices = #map2}, {transform_indices = #map2}]} {
    %mul3A = arith.constant 2 : i32
    %mul3A_0 = arith.muli %arg1, %mul3A : i32
    %add3A = arith.addi %mul3A_0, %arg0 : i32
    %eq3A = arith.constant 0 : i32
    %eq3A_1 = arith.cmpi eq, %arg1, %eq3A : i32
    %convert_element_type3A = arith.extui %eq3A_1 : i1 to i32
    %cond3A = arith.constant 0 : i32
    %cond3A_2 = arith.cmpi ne, %convert_element_type3A, %cond3A : i32
    scf.if %cond3A_2 {
      "tpu.region"() ({
        %run_scoped3A = tpu.sem_alloc : memref<!tpu.dma_semaphore, #tpu.memory_space<semaphore_mem>>
        tpu.enqueue_dma source(%arg4 : memref<10000xf32, #tpu.memory_space<hbm>>) target(%arg10 : memref<10000xf32, #tpu.memory_space<vmem_shared>>) target_semaphore(%run_scoped3A : memref<!tpu.dma_semaphore, #tpu.memory_space<semaphore_mem>>)
        tpu.wait_dma2 semaphore(%run_scoped3A : memref<!tpu.dma_semaphore, #tpu.memory_space<semaphore_mem>>) src(%arg4 : memref<10000xf32, #tpu.memory_space<hbm>>) dst(%arg10 : memref<10000xf32, #tpu.memory_space<vmem_shared>>)
        tpu.yield
      }) : () -> ()
      "tpu.region"() ({
        %run_scoped3A = tpu.sem_alloc : memref<!tpu.dma_semaphore, #tpu.memory_space<semaphore_mem>>
        tpu.enqueue_dma source(%arg4 : memref<10000xf32, #tpu.memory_space<hbm>>) target(%arg11 : memref<10000xf32, #tpu.memory_space<vmem_shared>>) target_semaphore(%run_scoped3A : memref<!tpu.dma_semaphore, #tpu.memory_space<semaphore_mem>>)
        tpu.wait_dma2 semaphore(%run_scoped3A : memref<!tpu.dma_semaphore, #tpu.memory_space<semaphore_mem>>) src(%arg4 : memref<10000xf32, #tpu.memory_space<hbm>>) dst(%arg11 : memref<10000xf32, #tpu.memory_space<vmem_shared>>)
        tpu.yield
      }) : () -> ()
    } else {
    }
    %broadcast_in_dim3A = arith.constant 1.000000e+00 : f32
    %broadcast_in_dim3A_3 = vector.broadcast %broadcast_in_dim3A : f32 to vector<16xf32>
    %swap3A = arith.constant 0 : index
    %swap3A_4 = tpu.vector_load %arg9[%swap3A] {strides = array<i32>} : memref<80xf32, #tpu.memory_space<vmem>>, vector<16xf32>,
    %swap3A_5 = vector.shape_cast %swap3A_4 : vector<16xf32> to vector<16xf32>
    %swap3A_6 = vector.shape_cast %broadcast_in_dim3A_3 : vector<16xf32> to vector<16xf32>
    tpu.vector_store %arg9[%swap3A], %swap3A_6 {strides = array<i32>} : memref<80xf32, #tpu.memory_space<vmem>>, vector<16xf32>,
    %broadcast_in_dim3A_7 = arith.constant 1.000000e+00 : f32
    %broadcast_in_dim3A_8 = vector.broadcast %broadcast_in_dim3A_7 : f32 to vector<16xf32>
    %swap3A_9 = arith.constant 16 : index
    %swap3A_10 = tpu.vector_load %arg9[%swap3A_9] {strides = array<i32>} : memref<80xf32, #tpu.memory_space<vmem>>, vector<16xf32>,
    %swap3A_11 = vector.shape_cast %swap3A_10 : vector<16xf32> to vector<16xf32>
    %swap3A_12 = vector.shape_cast %broadcast_in_dim3A_8 : vector<16xf32> to vector<16xf32>
    tpu.vector_store %arg9[%swap3A_9], %swap3A_12 {strides = array<i32>} : memref<80xf32, #tpu.memory_space<vmem>>, vector<16xf32>,
    %broadcast_in_dim3A_13 = arith.constant 1.000000e+00 : f32
    %broadcast_in_dim3A_14 = vector.broadcast %broadcast_in_dim3A_13 : f32 to vector<16xf32>
    %swap3A_15 = arith.constant 32 : index
    %swap3A_16 = tpu.vector_load %arg9[%swap3A_15] {strides = array<i32>} : memref<80xf32, #tpu.memory_space<vmem>>, vector<16xf32>,
    %swap3A_17 = vector.shape_cast %swap3A_16 : vector<16xf32> to vector<16xf32>
    %swap3A_18 = vector.shape_cast %broadcast_in_dim3A_14 : vector<16xf32> to vector<16xf32>
    tpu.vector_store %arg9[%swap3A_15], %swap3A_18 {strides = array<i32>} : memref<80xf32, #tpu.memory_space<vmem>>, vector<16xf32>,
    %broadcast_in_dim3A_19 = arith.constant 1.000000e+00 : f32
    %broadcast_in_dim3A_20 = vector.broadcast %broadcast_in_dim3A_19 : f32 to vector<16xf32>
    %swap3A_21 = arith.constant 48 : index
    %swap3A_22 = tpu.vector_load %arg9[%swap3A_21] {strides = array<i32>} : memref<80xf32, #tpu.memory_space<vmem>>, vector<16xf32>,
    %swap3A_23 = vector.shape_cast %swap3A_22 : vector<16xf32> to vector<16xf32>
    %swap3A_24 = vector.shape_cast %broadcast_in_dim3A_20 : vector<16xf32> to vector<16xf32>
    tpu.vector_store %arg9[%swap3A_21], %swap3A_24 {strides = array<i32>} : memref<80xf32, #tpu.memory_space<vmem>>, vector<16xf32>,
    %broadcast_in_dim3A_25 = arith.constant 1.000000e+00 : f32
    %broadcast_in_dim3A_26 = vector.broadcast %broadcast_in_dim3A_25 : f32 to vector<16xf32>
    %swap3A_27 = arith.constant 64 : index
    %swap3A_28 = tpu.vector_load %arg9[%swap3A_27] {strides = array<i32>} : memref<80xf32, #tpu.memory_space<vmem>>, vector<16xf32>,
    %swap3A_29 = vector.shape_cast %swap3A_28 : vector<16xf32> to vector<16xf32>
    %swap3A_30 = vector.shape_cast %broadcast_in_dim3A_26 : vector<16xf32> to vector<16xf32>
    tpu.vector_store %arg9[%swap3A_27], %swap3A_30 {strides = array<i32>} : memref<80xf32, #tpu.memory_space<vmem>>, vector<16xf32>,
    "tpu.region"() ({
      %run_scoped3A = tpu.sem_alloc : memref<!tpu.dma_semaphore, #tpu.memory_space<semaphore_mem>>
      %dma_start3A = arith.constant 0 : i32
      %dma_start3A_42 = arith.constant 0 : i32
      %dma_start3A_43 = tpu.memref_slice %arg2[%add3A, %dma_start3A, %dma_start3A_42] : memref<32x125x80xi32, #tpu.memory_space<hbm>> -> memref<1x125x80xi32, #tpu.memory_space<hbm>>
      %dma_start3A_44 = tpu.memref_squeeze %dma_start3A_43 : memref<1x125x80xi32, #tpu.memory_space<hbm>> -> memref<125x80xi32, #tpu.memory_space<hbm>>
      %dma_start3A_45 = arith.constant 0 : i32
      %dma_start3A_46 = arith.constant 0 : i32
      %dma_start3A_47 = tpu.memref_slice %arg2[%add3A, %dma_start3A_45, %dma_start3A_46] : memref<32x125x80xi32, #tpu.memory_space<hbm>> -> memref<1x125x80xi32, #tpu.memory_space<hbm>>
      %dma_start3A_48 = tpu.memref_squeeze %dma_start3A_47 : memref<1x125x80xi32, #tpu.memory_space<hbm>> -> memref<125x80xi32, #tpu.memory_space<hbm>>
      tpu.enqueue_dma source(%dma_start3A_48 : memref<125x80xi32, #tpu.memory_space<hbm>>) target(%arg7 : memref<125x80xi32, #tpu.memory_space<vmem>>) target_semaphore(%run_scoped3A : memref<!tpu.dma_semaphore, #tpu.memory_space<semaphore_mem>>)
      %dma_wait3A = arith.constant 0 : i32
      %dma_wait3A_49 = arith.constant 0 : i32
      %dma_wait3A_50 = tpu.memref_slice %arg2[%add3A, %dma_wait3A, %dma_wait3A_49] : memref<32x125x80xi32, #tpu.memory_space<hbm>> -> memref<1x125x80xi32, #tpu.memory_space<hbm>>
      %dma_wait3A_51 = tpu.memref_squeeze %dma_wait3A_50 : memref<1x125x80xi32, #tpu.memory_space<hbm>> -> memref<125x80xi32, #tpu.memory_space<hbm>>
      %dma_wait3A_52 = arith.constant 0 : i32
      %dma_wait3A_53 = arith.constant 0 : i32
      %dma_wait3A_54 = tpu.memref_slice %arg2[%add3A, %dma_wait3A_52, %dma_wait3A_53] : memref<32x125x80xi32, #tpu.memory_space<hbm>> -> memref<1x125x80xi32, #tpu.memory_space<hbm>>
      %dma_wait3A_55 = tpu.memref_squeeze %dma_wait3A_54 : memref<1x125x80xi32, #tpu.memory_space<hbm>> -> memref<125x80xi32, #tpu.memory_space<hbm>>
      tpu.wait_dma2 semaphore(%run_scoped3A : memref<!tpu.dma_semaphore, #tpu.memory_space<semaphore_mem>>) src(%dma_wait3A_55 : memref<125x80xi32, #tpu.memory_space<hbm>>) dst(%arg7 : memref<125x80xi32, #tpu.memory_space<vmem>>)
      tpu.yield
    }) : () -> ()
    "tpu.region"() ({
      %run_scoped3A = tpu.sem_alloc : memref<!tpu.dma_semaphore, #tpu.memory_space<semaphore_mem>>
      %dma_start3A = arith.constant 0 : i32
      %dma_start3A_42 = arith.constant 0 : i32
      %dma_start3A_43 = tpu.memref_slice %arg3[%add3A, %dma_start3A, %dma_start3A_42] : memref<32x125x80xi32, #tpu.memory_space<hbm>> -> memref<1x125x80xi32, #tpu.memory_space<hbm>>
      %dma_start3A_44 = tpu.memref_squeeze %dma_start3A_43 : memref<1x125x80xi32, #tpu.memory_space<hbm>> -> memref<125x80xi32, #tpu.memory_space<hbm>>
      %dma_start3A_45 = arith.constant 0 : i32
      %dma_start3A_46 = arith.constant 0 : i32
      %dma_start3A_47 = tpu.memref_slice %arg3[%add3A, %dma_start3A_45, %dma_start3A_46] : memref<32x125x80xi32, #tpu.memory_space<hbm>> -> memref<1x125x80xi32, #tpu.memory_space<hbm>>
      %dma_start3A_48 = tpu.memref_squeeze %dma_start3A_47 : memref<1x125x80xi32, #tpu.memory_space<hbm>> -> memref<125x80xi32, #tpu.memory_space<hbm>>
      tpu.enqueue_dma source(%dma_start3A_48 : memref<125x80xi32, #tpu.memory_space<hbm>>) target(%arg8 : memref<125x80xi32, #tpu.memory_space<vmem>>) target_semaphore(%run_scoped3A : memref<!tpu.dma_semaphore, #tpu.memory_space<semaphore_mem>>)
      %dma_wait3A = arith.constant 0 : i32
      %dma_wait3A_49 = arith.constant 0 : i32
      %dma_wait3A_50 = tpu.memref_slice %arg3[%add3A, %dma_wait3A, %dma_wait3A_49] : memref<32x125x80xi32, #tpu.memory_space<hbm>> -> memref<1x125x80xi32, #tpu.memory_space<hbm>>
      %dma_wait3A_51 = tpu.memref_squeeze %dma_wait3A_50 : memref<1x125x80xi32, #tpu.memory_space<hbm>> -> memref<125x80xi32, #tpu.memory_space<hbm>>
      %dma_wait3A_52 = arith.constant 0 : i32
      %dma_wait3A_53 = arith.constant 0 : i32
      %dma_wait3A_54 = tpu.memref_slice %arg3[%add3A, %dma_wait3A_52, %dma_wait3A_53] : memref<32x125x80xi32, #tpu.memory_space<hbm>> -> memref<1x125x80xi32, #tpu.memory_space<hbm>>
      %dma_wait3A_55 = tpu.memref_squeeze %dma_wait3A_54 : memref<1x125x80xi32, #tpu.memory_space<hbm>> -> memref<125x80xi32, #tpu.memory_space<hbm>>
      tpu.wait_dma2 semaphore(%run_scoped3A : memref<!tpu.dma_semaphore, #tpu.memory_space<semaphore_mem>>) src(%dma_wait3A_55 : memref<125x80xi32, #tpu.memory_space<hbm>>) dst(%arg8 : memref<125x80xi32, #tpu.memory_space<vmem>>)
      tpu.yield
    }) : () -> ()
    %barrier3A = arith.constant 0 : index
    tpu.barrier barrier_id(%barrier3A)
    %scan3A = arith.constant 0 : i32
    %scan3A_31 = arith.constant 0 : i32
    %scan3A_32 = arith.constant 125 : i32
    %scan3A_33 = arith.addi %scan3A_31, %scan3A_32 : i32
    %scan3A_34 = arith.constant 1 : i32
    scf.for %scan3A_42 = %scan3A_31 to %scan3A_33 step %scan3A_34  : i32 {
      "tpu.region"() ({
        %run_scoped3A = tpu.sem_alloc : memref<!tpu.dma_semaphore, #tpu.memory_space<semaphore_mem>>
        %dma_start3A = arith.constant 0 : i32
        %dma_start3A_43 = tpu.memref_slice %arg7[%scan3A_42, %dma_start3A] : memref<125x80xi32, #tpu.memory_space<vmem>> -> memref<1x80xi32, #tpu.memory_space<vmem>>
        %dma_start3A_44 = tpu.memref_squeeze %dma_start3A_43 : memref<1x80xi32, #tpu.memory_space<vmem>> -> memref<80xi32, #tpu.memory_space<vmem>>
        %dma_start3A_45 = arith.constant 0 : i32
        %dma_start3A_46 = tpu.memref_slice %arg10[%dma_start3A_45] : memref<10000xf32, #tpu.memory_space<vmem_shared>> -> memref<10000xf32, #tpu.memory_space<vmem_shared>>
        tpu.enqueue_indirect_dma source(%arg9 : memref<80xf32, #tpu.memory_space<vmem>>) target(%dma_start3A_46 : memref<10000xf32, #tpu.memory_space<vmem_shared>>) offsets(%dma_start3A_44 : memref<80xi32, #tpu.memory_space<vmem>>) semaphore(%run_scoped3A : memref<!tpu.dma_semaphore, #tpu.memory_space<semaphore_mem>>) {add = true}
        %dma_wait3A = arith.constant 0 : i32
        %dma_wait3A_47 = tpu.memref_slice %arg7[%scan3A_42, %dma_wait3A] : memref<125x80xi32, #tpu.memory_space<vmem>> -> memref<1x80xi32, #tpu.memory_space<vmem>>
        %dma_wait3A_48 = tpu.memref_squeeze %dma_wait3A_47 : memref<1x80xi32, #tpu.memory_space<vmem>> -> memref<80xi32, #tpu.memory_space<vmem>>
        %dma_wait3A_49 = arith.constant 0 : i32
        %dma_wait3A_50 = tpu.memref_slice %arg10[%dma_wait3A_49] : memref<10000xf32, #tpu.memory_space<vmem_shared>> -> memref<10000xf32, #tpu.memory_space<vmem_shared>>
        tpu.wait_indirect_dma semaphore(%run_scoped3A : memref<!tpu.dma_semaphore, #tpu.memory_space<semaphore_mem>>) src(%arg9 : memref<80xf32, #tpu.memory_space<vmem>>) dst(%dma_wait3A_50 : memref<10000xf32, #tpu.memory_space<vmem_shared>>)
        tpu.yield
      }) : () -> ()
      "tpu.region"() ({
        %run_scoped3A = tpu.sem_alloc : memref<!tpu.dma_semaphore, #tpu.memory_space<semaphore_mem>>
        %dma_start3A = arith.constant 0 : i32
        %dma_start3A_43 = tpu.memref_slice %arg8[%scan3A_42, %dma_start3A] : memref<125x80xi32, #tpu.memory_space<vmem>> -> memref<1x80xi32, #tpu.memory_space<vmem>>
        %dma_start3A_44 = tpu.memref_squeeze %dma_start3A_43 : memref<1x80xi32, #tpu.memory_space<vmem>> -> memref<80xi32, #tpu.memory_space<vmem>>
        %dma_start3A_45 = arith.constant 0 : i32
        %dma_start3A_46 = tpu.memref_slice %arg11[%dma_start3A_45] : memref<10000xf32, #tpu.memory_space<vmem_shared>> -> memref<10000xf32, #tpu.memory_space<vmem_shared>>
        tpu.enqueue_indirect_dma source(%arg9 : memref<80xf32, #tpu.memory_space<vmem>>) target(%dma_start3A_46 : memref<10000xf32, #tpu.memory_space<vmem_shared>>) offsets(%dma_start3A_44 : memref<80xi32, #tpu.memory_space<vmem>>) semaphore(%run_scoped3A : memref<!tpu.dma_semaphore, #tpu.memory_space<semaphore_mem>>) {add = true}
        %dma_wait3A = arith.constant 0 : i32
        %dma_wait3A_47 = tpu.memref_slice %arg8[%scan3A_42, %dma_wait3A] : memref<125x80xi32, #tpu.memory_space<vmem>> -> memref<1x80xi32, #tpu.memory_space<vmem>>
        %dma_wait3A_48 = tpu.memref_squeeze %dma_wait3A_47 : memref<1x80xi32, #tpu.memory_space<vmem>> -> memref<80xi32, #tpu.memory_space<vmem>>
        %dma_wait3A_49 = arith.constant 0 : i32
        %dma_wait3A_50 = tpu.memref_slice %arg11[%dma_wait3A_49] : memref<10000xf32, #tpu.memory_space<vmem_shared>> -> memref<10000xf32, #tpu.memory_space<vmem_shared>>
        tpu.wait_indirect_dma semaphore(%run_scoped3A : memref<!tpu.dma_semaphore, #tpu.memory_space<semaphore_mem>>) src(%arg9 : memref<80xf32, #tpu.memory_space<vmem>>) dst(%dma_wait3A_50 : memref<10000xf32, #tpu.memory_space<vmem_shared>>)
        tpu.yield
      }) : () -> ()
    }
    %scan3A_35 = arith.constant 125 : i32
    %barrier3A_36 = arith.constant 0 : index
    tpu.barrier barrier_id(%barrier3A_36)
    %eq3A_37 = arith.constant 0 : i32
    %eq3A_38 = arith.cmpi eq, %arg1, %eq3A_37 : i32
    %convert_element_type3A_39 = arith.extui %eq3A_38 : i1 to i32
    %cond3A_40 = arith.constant 0 : i32
    %cond3A_41 = arith.cmpi ne, %convert_element_type3A_39, %cond3A_40 : i32
    scf.if %cond3A_41 {
      "tpu.region"() ({
        %run_scoped3A = tpu.sem_alloc : memref<!tpu.dma_semaphore, #tpu.memory_space<semaphore_mem>>
        %dma_start3A = arith.constant 0 : i32
        %dma_start3A_42 = tpu.memref_slice %arg5[%arg0, %dma_start3A] : memref<2x10000xf32, #tpu.memory_space<hbm>> -> memref<1x10000xf32, #tpu.memory_space<hbm>>
        %dma_start3A_43 = tpu.memref_squeeze %dma_start3A_42 : memref<1x10000xf32, #tpu.memory_space<hbm>> -> memref<10000xf32, #tpu.memory_space<hbm>>
        tpu.enqueue_dma source(%arg10 : memref<10000xf32, #tpu.memory_space<vmem_shared>>) target(%dma_start3A_43 : memref<10000xf32, #tpu.memory_space<hbm>>) target_semaphore(%run_scoped3A : memref<!tpu.dma_semaphore, #tpu.memory_space<semaphore_mem>>)
        %dma_wait3A = arith.constant 0 : i32
        %dma_wait3A_44 = tpu.memref_slice %arg5[%arg0, %dma_wait3A] : memref<2x10000xf32, #tpu.memory_space<hbm>> -> memref<1x10000xf32, #tpu.memory_space<hbm>>
        %dma_wait3A_45 = tpu.memref_squeeze %dma_wait3A_44 : memref<1x10000xf32, #tpu.memory_space<hbm>> -> memref<10000xf32, #tpu.memory_space<hbm>>
        tpu.wait_dma2 semaphore(%run_scoped3A : memref<!tpu.dma_semaphore, #tpu.memory_space<semaphore_mem>>) src(%arg10 : memref<10000xf32, #tpu.memory_space<vmem_shared>>) dst(%dma_wait3A_45 : memref<10000xf32, #tpu.memory_space<hbm>>)
        tpu.yield
      }) : () -> ()
      "tpu.region"() ({
        %run_scoped3A = tpu.sem_alloc : memref<!tpu.dma_semaphore, #tpu.memory_space<semaphore_mem>>
        %dma_start3A = arith.constant 0 : i32
        %dma_start3A_42 = tpu.memref_slice %arg6[%arg0, %dma_start3A] : memref<2x10000xf32, #tpu.memory_space<hbm>> -> memref<1x10000xf32, #tpu.memory_space<hbm>>
        %dma_start3A_43 = tpu.memref_squeeze %dma_start3A_42 : memref<1x10000xf32, #tpu.memory_space<hbm>> -> memref<10000xf32, #tpu.memory_space<hbm>>
        tpu.enqueue_dma source(%arg11 : memref<10000xf32, #tpu.memory_space<vmem_shared>>) target(%dma_start3A_43 : memref<10000xf32, #tpu.memory_space<hbm>>) target_semaphore(%run_scoped3A : memref<!tpu.dma_semaphore, #tpu.memory_space<semaphore_mem>>)
        %dma_wait3A = arith.constant 0 : i32
        %dma_wait3A_44 = tpu.memref_slice %arg6[%arg0, %dma_wait3A] : memref<2x10000xf32, #tpu.memory_space<hbm>> -> memref<1x10000xf32, #tpu.memory_space<hbm>>
        %dma_wait3A_45 = tpu.memref_squeeze %dma_wait3A_44 : memref<1x10000xf32, #tpu.memory_space<hbm>> -> memref<10000xf32, #tpu.memory_space<hbm>>
        tpu.wait_dma2 semaphore(%run_scoped3A : memref<!tpu.dma_semaphore, #tpu.memory_space<semaphore_mem>>) src(%arg11 : memref<10000xf32, #tpu.memory_space<vmem_shared>>) dst(%dma_wait3A_45 : memref<10000xf32, #tpu.memory_space<hbm>>)
        tpu.yield
      }) : () -> ()
    } else {
    }
    return
  }
}

#map = affine_map<(d0, d1) -> (0, 0)>
#map1 = affine_map<(d0, d1) -> (0)>
#map2 = affine_map<(d0, d1) -> (0, 0, 0)>
#map3 = affine_map<(d0, d1) -> (0, 0, 0, 0)>
module attributes {stable_mosaic.version = 14 : i64} {
  func.func @_agg_body(%arg0: i32, %arg1: i32, %arg2: memref<10000x128xf32, #tpu.memory_space<hbm>>, %arg3: memref<320000xi32, #tpu.memory_space<hbm>>, %arg4: memref<32x125x80xi32, #tpu.memory_space<hbm>>, %arg5: memref<625x128xf32, #tpu.memory_space<hbm>>, %arg6: memref<2x16x625x128xf32, #tpu.memory_space<hbm>>, %arg7: memref<10000xi32, #tpu.memory_space<vmem>>, %arg8: memref<125x80xi32, #tpu.memory_space<vmem>>, %arg9: memref<80x128xf32, #tpu.memory_space<vmem>>, %arg10: memref<80x128xf32, #tpu.memory_space<vmem>>, %arg11: memref<10000x128xf32, #tpu.memory_space<vmem_shared>>, %arg12: memref<!tpu.dma_semaphore, #tpu.memory_space<semaphore_mem>>, %arg13: memref<!tpu.dma_semaphore, #tpu.memory_space<semaphore_mem>>) attributes {dimension_semantics = [#tpu.dimension_semantics<core_parallel>, #tpu.dimension_semantics<subcore_parallel>], iteration_bounds = array<i64: 2, 16>, scalar_prefetch = 0 : i64, scratch_operands = 7 : i64, tpu.core_type = #tpu.core_type<sc_vector_subcore>, window_params = [{transform_indices = #map}, {transform_indices = #map1}, {transform_indices = #map2}, {transform_indices = #map}, {transform_indices = #map3}]} {
    %mul3A = arith.constant 2 : i32
    %mul3A_0 = arith.muli %arg1, %mul3A : i32
    %add3A = arith.addi %mul3A_0, %arg0 : i32
    %mul3A_1 = arith.constant 625 : i32
    %mul3A_2 = arith.muli %arg1, %mul3A_1 : i32
    "tpu.region"() ({
      %run_scoped3A_19 = tpu.sem_alloc : memref<!tpu.dma_semaphore, #tpu.memory_space<semaphore_mem>>
      %dma_start3A_20 = arith.constant 0 : i32
      %dma_start3A_21 = tpu.memref_slice %arg11[%mul3A_2, %dma_start3A_20] : memref<10000x128xf32, #tpu.memory_space<vmem_shared>> -> memref<625x128xf32, #tpu.memory_space<vmem_shared>>
      tpu.enqueue_dma source(%arg5 : memref<625x128xf32, #tpu.memory_space<hbm>>) target(%dma_start3A_21 : memref<625x128xf32, #tpu.memory_space<vmem_shared>>) target_semaphore(%run_scoped3A_19 : memref<!tpu.dma_semaphore, #tpu.memory_space<semaphore_mem>>)
      %dma_wait3A_22 = arith.constant 0 : i32
      %dma_wait3A_23 = tpu.memref_slice %arg11[%mul3A_2, %dma_wait3A_22] : memref<10000x128xf32, #tpu.memory_space<vmem_shared>> -> memref<625x128xf32, #tpu.memory_space<vmem_shared>>
      tpu.wait_dma2 semaphore(%run_scoped3A_19 : memref<!tpu.dma_semaphore, #tpu.memory_space<semaphore_mem>>) src(%arg5 : memref<625x128xf32, #tpu.memory_space<hbm>>) dst(%dma_wait3A_23 : memref<625x128xf32, #tpu.memory_space<vmem_shared>>)
      tpu.yield
    }) : () -> ()
    %mul3A_3 = arith.constant 10000 : i32
    %mul3A_4 = arith.muli %add3A, %mul3A_3 : i32
    "tpu.region"() ({
      %run_scoped3A_19 = tpu.sem_alloc : memref<!tpu.dma_semaphore, #tpu.memory_space<semaphore_mem>>
      %dma_start3A_20 = tpu.memref_slice %arg3[%mul3A_4] : memref<320000xi32, #tpu.memory_space<hbm>> -> memref<10000xi32, #tpu.memory_space<hbm>>
      %dma_start3A_21 = tpu.memref_slice %arg3[%mul3A_4] : memref<320000xi32, #tpu.memory_space<hbm>> -> memref<10000xi32, #tpu.memory_space<hbm>>
      tpu.enqueue_dma source(%dma_start3A_21 : memref<10000xi32, #tpu.memory_space<hbm>>) target(%arg7 : memref<10000xi32, #tpu.memory_space<vmem>>) target_semaphore(%run_scoped3A_19 : memref<!tpu.dma_semaphore, #tpu.memory_space<semaphore_mem>>)
      %dma_wait3A_22 = tpu.memref_slice %arg3[%mul3A_4] : memref<320000xi32, #tpu.memory_space<hbm>> -> memref<10000xi32, #tpu.memory_space<hbm>>
      %dma_wait3A_23 = tpu.memref_slice %arg3[%mul3A_4] : memref<320000xi32, #tpu.memory_space<hbm>> -> memref<10000xi32, #tpu.memory_space<hbm>>
      tpu.wait_dma2 semaphore(%run_scoped3A_19 : memref<!tpu.dma_semaphore, #tpu.memory_space<semaphore_mem>>) src(%dma_wait3A_23 : memref<10000xi32, #tpu.memory_space<hbm>>) dst(%arg7 : memref<10000xi32, #tpu.memory_space<vmem>>)
      tpu.yield
    }) : () -> ()
    "tpu.region"() ({
      %run_scoped3A_19 = tpu.sem_alloc : memref<!tpu.dma_semaphore, #tpu.memory_space<semaphore_mem>>
      %dma_start3A_20 = arith.constant 0 : i32
      %dma_start3A_21 = arith.constant 0 : i32
      %dma_start3A_22 = tpu.memref_slice %arg4[%add3A, %dma_start3A_20, %dma_start3A_21] : memref<32x125x80xi32, #tpu.memory_space<hbm>> -> memref<1x125x80xi32, #tpu.memory_space<hbm>>
      %dma_start3A_23 = tpu.memref_squeeze %dma_start3A_22 : memref<1x125x80xi32, #tpu.memory_space<hbm>> -> memref<125x80xi32, #tpu.memory_space<hbm>>
      %dma_start3A_24 = arith.constant 0 : i32
      %dma_start3A_25 = arith.constant 0 : i32
      %dma_start3A_26 = tpu.memref_slice %arg4[%add3A, %dma_start3A_24, %dma_start3A_25] : memref<32x125x80xi32, #tpu.memory_space<hbm>> -> memref<1x125x80xi32, #tpu.memory_space<hbm>>
      %dma_start3A_27 = tpu.memref_squeeze %dma_start3A_26 : memref<1x125x80xi32, #tpu.memory_space<hbm>> -> memref<125x80xi32, #tpu.memory_space<hbm>>
      tpu.enqueue_dma source(%dma_start3A_27 : memref<125x80xi32, #tpu.memory_space<hbm>>) target(%arg8 : memref<125x80xi32, #tpu.memory_space<vmem>>) target_semaphore(%run_scoped3A_19 : memref<!tpu.dma_semaphore, #tpu.memory_space<semaphore_mem>>)
      %dma_wait3A_28 = arith.constant 0 : i32
      %dma_wait3A_29 = arith.constant 0 : i32
      %dma_wait3A_30 = tpu.memref_slice %arg4[%add3A, %dma_wait3A_28, %dma_wait3A_29] : memref<32x125x80xi32, #tpu.memory_space<hbm>> -> memref<1x125x80xi32, #tpu.memory_space<hbm>>
      %dma_wait3A_31 = tpu.memref_squeeze %dma_wait3A_30 : memref<1x125x80xi32, #tpu.memory_space<hbm>> -> memref<125x80xi32, #tpu.memory_space<hbm>>
      %dma_wait3A_32 = arith.constant 0 : i32
      %dma_wait3A_33 = arith.constant 0 : i32
      %dma_wait3A_34 = tpu.memref_slice %arg4[%add3A, %dma_wait3A_32, %dma_wait3A_33] : memref<32x125x80xi32, #tpu.memory_space<hbm>> -> memref<1x125x80xi32, #tpu.memory_space<hbm>>
      %dma_wait3A_35 = tpu.memref_squeeze %dma_wait3A_34 : memref<1x125x80xi32, #tpu.memory_space<hbm>> -> memref<125x80xi32, #tpu.memory_space<hbm>>
      tpu.wait_dma2 semaphore(%run_scoped3A_19 : memref<!tpu.dma_semaphore, #tpu.memory_space<semaphore_mem>>) src(%dma_wait3A_35 : memref<125x80xi32, #tpu.memory_space<hbm>>) dst(%arg8 : memref<125x80xi32, #tpu.memory_space<vmem>>)
      tpu.yield
    }) : () -> ()
    %barrier3A = arith.constant 0 : index
    tpu.barrier barrier_id(%barrier3A)
    %dma_start3A = arith.constant 0 : i32
    %dma_start3A_5 = tpu.memref_slice %arg7[%dma_start3A] : memref<10000xi32, #tpu.memory_space<vmem>> -> memref<80xi32, #tpu.memory_space<vmem>>
    %dma_start3A_6 = arith.constant 0 : i32
    %dma_start3A_7 = arith.constant 0 : i32
    %dma_start3A_8 = tpu.memref_slice %arg2[%dma_start3A_6, %dma_start3A_7] : memref<10000x128xf32, #tpu.memory_space<hbm>> -> memref<10000x128xf32, #tpu.memory_space<hbm>>
    tpu.enqueue_indirect_dma source(%dma_start3A_8 : memref<10000x128xf32, #tpu.memory_space<hbm>>) target(%arg9 : memref<80x128xf32, #tpu.memory_space<vmem>>) offsets(%dma_start3A_5 : memref<80xi32, #tpu.memory_space<vmem>>) semaphore(%arg12 : memref<!tpu.dma_semaphore, #tpu.memory_space<semaphore_mem>>)
    %scan3A = arith.constant 0 : i32
    %scan3A_9 = arith.constant 0 : i32
    %scan3A_10 = arith.constant 62 : i32
    %scan3A_11 = arith.addi %scan3A_9, %scan3A_10 : i32
    %scan3A_12 = arith.constant 1 : i32
    scf.for %scan3A_19 = %scan3A_9 to %scan3A_11 step %scan3A_12  : i32 {
      %mul3A_20 = arith.constant 2 : i32
      %mul3A_21 = arith.muli %mul3A_20, %scan3A_19 : i32
      %add3A_22 = arith.constant 1 : i32
      %add3A_23 = arith.addi %mul3A_21, %add3A_22 : i32
      %mul3A_24 = arith.constant 80 : i32
      %mul3A_25 = arith.muli %add3A_23, %mul3A_24 : i32
      %dma_start3A_26 = tpu.memref_slice %arg7[%mul3A_25] : memref<10000xi32, #tpu.memory_space<vmem>> -> memref<80xi32, #tpu.memory_space<vmem>>
      %dma_start3A_27 = arith.constant 0 : i32
      %dma_start3A_28 = arith.constant 0 : i32
      %dma_start3A_29 = tpu.memref_slice %arg2[%dma_start3A_27, %dma_start3A_28] : memref<10000x128xf32, #tpu.memory_space<hbm>> -> memref<10000x128xf32, #tpu.memory_space<hbm>>
      tpu.enqueue_indirect_dma source(%dma_start3A_29 : memref<10000x128xf32, #tpu.memory_space<hbm>>) target(%arg10 : memref<80x128xf32, #tpu.memory_space<vmem>>) offsets(%dma_start3A_26 : memref<80xi32, #tpu.memory_space<vmem>>) semaphore(%arg13 : memref<!tpu.dma_semaphore, #tpu.memory_space<semaphore_mem>>)
      %mul3A_30 = arith.constant 80 : i32
      %mul3A_31 = arith.muli %mul3A_21, %mul3A_30 : i32
      %dma_wait3A_32 = tpu.memref_slice %arg7[%mul3A_31] : memref<10000xi32, #tpu.memory_space<vmem>> -> memref<80xi32, #tpu.memory_space<vmem>>
      %dma_wait3A_33 = arith.constant 0 : i32
      %dma_wait3A_34 = arith.constant 0 : i32
      %dma_wait3A_35 = tpu.memref_slice %arg2[%dma_wait3A_33, %dma_wait3A_34] : memref<10000x128xf32, #tpu.memory_space<hbm>> -> memref<10000x128xf32, #tpu.memory_space<hbm>>
      tpu.wait_indirect_dma semaphore(%arg12 : memref<!tpu.dma_semaphore, #tpu.memory_space<semaphore_mem>>) src(%dma_wait3A_35 : memref<10000x128xf32, #tpu.memory_space<hbm>>) dst(%arg9 : memref<80x128xf32, #tpu.memory_space<vmem>>)
      "tpu.region"() ({
        %run_scoped3A_50 = tpu.sem_alloc : memref<!tpu.dma_semaphore, #tpu.memory_space<semaphore_mem>>
        %dma_start3A_51 = arith.constant 0 : i32
        %dma_start3A_52 = tpu.memref_slice %arg8[%mul3A_21, %dma_start3A_51] : memref<125x80xi32, #tpu.memory_space<vmem>> -> memref<1x80xi32, #tpu.memory_space<vmem>>
        %dma_start3A_53 = tpu.memref_squeeze %dma_start3A_52 : memref<1x80xi32, #tpu.memory_space<vmem>> -> memref<80xi32, #tpu.memory_space<vmem>>
        %dma_start3A_54 = arith.constant 0 : i32
        %dma_start3A_55 = arith.constant 0 : i32
        %dma_start3A_56 = tpu.memref_slice %arg11[%dma_start3A_54, %dma_start3A_55] : memref<10000x128xf32, #tpu.memory_space<vmem_shared>> -> memref<10000x128xf32, #tpu.memory_space<vmem_shared>>
        tpu.enqueue_indirect_dma source(%arg9 : memref<80x128xf32, #tpu.memory_space<vmem>>) target(%dma_start3A_56 : memref<10000x128xf32, #tpu.memory_space<vmem_shared>>) offsets(%dma_start3A_53 : memref<80xi32, #tpu.memory_space<vmem>>) semaphore(%run_scoped3A_50 : memref<!tpu.dma_semaphore, #tpu.memory_space<semaphore_mem>>) {add = true}
        %dma_wait3A_57 = arith.constant 0 : i32
        %dma_wait3A_58 = tpu.memref_slice %arg8[%mul3A_21, %dma_wait3A_57] : memref<125x80xi32, #tpu.memory_space<vmem>> -> memref<1x80xi32, #tpu.memory_space<vmem>>
        %dma_wait3A_59 = tpu.memref_squeeze %dma_wait3A_58 : memref<1x80xi32, #tpu.memory_space<vmem>> -> memref<80xi32, #tpu.memory_space<vmem>>
        %dma_wait3A_60 = arith.constant 0 : i32
        %dma_wait3A_61 = arith.constant 0 : i32
        %dma_wait3A_62 = tpu.memref_slice %arg11[%dma_wait3A_60, %dma_wait3A_61] : memref<10000x128xf32, #tpu.memory_space<vmem_shared>> -> memref<10000x128xf32, #tpu.memory_space<vmem_shared>>
        tpu.wait_indirect_dma semaphore(%run_scoped3A_50 : memref<!tpu.dma_semaphore, #tpu.memory_space<semaphore_mem>>) src(%arg9 : memref<80x128xf32, #tpu.memory_space<vmem>>) dst(%dma_wait3A_62 : memref<10000x128xf32, #tpu.memory_space<vmem_shared>>)
        tpu.yield
      }) : () -> ()
      %add3A_36 = arith.constant 2 : i32
      %add3A_37 = arith.addi %mul3A_21, %add3A_36 : i32
      %mul3A_38 = arith.constant 80 : i32
      %mul3A_39 = arith.muli %add3A_37, %mul3A_38 : i32
      %dma_start3A_40 = tpu.memref_slice %arg7[%mul3A_39] : memref<10000xi32, #tpu.memory_space<vmem>> -> memref<80xi32, #tpu.memory_space<vmem>>
      %dma_start3A_41 = arith.constant 0 : i32
      %dma_start3A_42 = arith.constant 0 : i32
      %dma_start3A_43 = tpu.memref_slice %arg2[%dma_start3A_41, %dma_start3A_42] : memref<10000x128xf32, #tpu.memory_space<hbm>> -> memref<10000x128xf32, #tpu.memory_space<hbm>>
      tpu.enqueue_indirect_dma source(%dma_start3A_43 : memref<10000x128xf32, #tpu.memory_space<hbm>>) target(%arg9 : memref<80x128xf32, #tpu.memory_space<vmem>>) offsets(%dma_start3A_40 : memref<80xi32, #tpu.memory_space<vmem>>) semaphore(%arg12 : memref<!tpu.dma_semaphore, #tpu.memory_space<semaphore_mem>>)
      %mul3A_44 = arith.constant 80 : i32
      %mul3A_45 = arith.muli %add3A_23, %mul3A_44 : i32
      %dma_wait3A_46 = tpu.memref_slice %arg7[%mul3A_45] : memref<10000xi32, #tpu.memory_space<vmem>> -> memref<80xi32, #tpu.memory_space<vmem>>
      %dma_wait3A_47 = arith.constant 0 : i32
      %dma_wait3A_48 = arith.constant 0 : i32
      %dma_wait3A_49 = tpu.memref_slice %arg2[%dma_wait3A_47, %dma_wait3A_48] : memref<10000x128xf32, #tpu.memory_space<hbm>> -> memref<10000x128xf32, #tpu.memory_space<hbm>>
      tpu.wait_indirect_dma semaphore(%arg13 : memref<!tpu.dma_semaphore, #tpu.memory_space<semaphore_mem>>) src(%dma_wait3A_49 : memref<10000x128xf32, #tpu.memory_space<hbm>>) dst(%arg10 : memref<80x128xf32, #tpu.memory_space<vmem>>)
      "tpu.region"() ({
        %run_scoped3A_50 = tpu.sem_alloc : memref<!tpu.dma_semaphore, #tpu.memory_space<semaphore_mem>>
        %dma_start3A_51 = arith.constant 0 : i32
        %dma_start3A_52 = tpu.memref_slice %arg8[%add3A_23, %dma_start3A_51] : memref<125x80xi32, #tpu.memory_space<vmem>> -> memref<1x80xi32, #tpu.memory_space<vmem>>
        %dma_start3A_53 = tpu.memref_squeeze %dma_start3A_52 : memref<1x80xi32, #tpu.memory_space<vmem>> -> memref<80xi32, #tpu.memory_space<vmem>>
        %dma_start3A_54 = arith.constant 0 : i32
        %dma_start3A_55 = arith.constant 0 : i32
        %dma_start3A_56 = tpu.memref_slice %arg11[%dma_start3A_54, %dma_start3A_55] : memref<10000x128xf32, #tpu.memory_space<vmem_shared>> -> memref<10000x128xf32, #tpu.memory_space<vmem_shared>>
        tpu.enqueue_indirect_dma source(%arg10 : memref<80x128xf32, #tpu.memory_space<vmem>>) target(%dma_start3A_56 : memref<10000x128xf32, #tpu.memory_space<vmem_shared>>) offsets(%dma_start3A_53 : memref<80xi32, #tpu.memory_space<vmem>>) semaphore(%run_scoped3A_50 : memref<!tpu.dma_semaphore, #tpu.memory_space<semaphore_mem>>) {add = true}
        %dma_wait3A_57 = arith.constant 0 : i32
        %dma_wait3A_58 = tpu.memref_slice %arg8[%add3A_23, %dma_wait3A_57] : memref<125x80xi32, #tpu.memory_space<vmem>> -> memref<1x80xi32, #tpu.memory_space<vmem>>
        %dma_wait3A_59 = tpu.memref_squeeze %dma_wait3A_58 : memref<1x80xi32, #tpu.memory_space<vmem>> -> memref<80xi32, #tpu.memory_space<vmem>>
        %dma_wait3A_60 = arith.constant 0 : i32
        %dma_wait3A_61 = arith.constant 0 : i32
        %dma_wait3A_62 = tpu.memref_slice %arg11[%dma_wait3A_60, %dma_wait3A_61] : memref<10000x128xf32, #tpu.memory_space<vmem_shared>> -> memref<10000x128xf32, #tpu.memory_space<vmem_shared>>
        tpu.wait_indirect_dma semaphore(%run_scoped3A_50 : memref<!tpu.dma_semaphore, #tpu.memory_space<semaphore_mem>>) src(%arg10 : memref<80x128xf32, #tpu.memory_space<vmem>>) dst(%dma_wait3A_62 : memref<10000x128xf32, #tpu.memory_space<vmem_shared>>)
        tpu.yield
      }) : () -> ()
    }
    %scan3A_13 = arith.constant 62 : i32
    %dma_wait3A = arith.constant 9920 : i32
    %dma_wait3A_14 = tpu.memref_slice %arg7[%dma_wait3A] : memref<10000xi32, #tpu.memory_space<vmem>> -> memref<80xi32, #tpu.memory_space<vmem>>
    %dma_wait3A_15 = arith.constant 0 : i32
    %dma_wait3A_16 = arith.constant 0 : i32
    %dma_wait3A_17 = tpu.memref_slice %arg2[%dma_wait3A_15, %dma_wait3A_16] : memref<10000x128xf32, #tpu.memory_space<hbm>> -> memref<10000x128xf32, #tpu.memory_space<hbm>>
    tpu.wait_indirect_dma semaphore(%arg12 : memref<!tpu.dma_semaphore, #tpu.memory_space<semaphore_mem>>) src(%dma_wait3A_17 : memref<10000x128xf32, #tpu.memory_space<hbm>>) dst(%arg9 : memref<80x128xf32, #tpu.memory_space<vmem>>)
    %run_scoped3A = arith.constant 124 : i32
    "tpu.region"() ({
      %run_scoped3A_19 = tpu.sem_alloc : memref<!tpu.dma_semaphore, #tpu.memory_space<semaphore_mem>>
      %dma_start3A_20 = arith.constant 0 : i32
      %dma_start3A_21 = tpu.memref_slice %arg8[%run_scoped3A, %dma_start3A_20] : memref<125x80xi32, #tpu.memory_space<vmem>> -> memref<1x80xi32, #tpu.memory_space<vmem>>
      %dma_start3A_22 = tpu.memref_squeeze %dma_start3A_21 : memref<1x80xi32, #tpu.memory_space<vmem>> -> memref<80xi32, #tpu.memory_space<vmem>>
      %dma_start3A_23 = arith.constant 0 : i32
      %dma_start3A_24 = arith.constant 0 : i32
      %dma_start3A_25 = tpu.memref_slice %arg11[%dma_start3A_23, %dma_start3A_24] : memref<10000x128xf32, #tpu.memory_space<vmem_shared>> -> memref<10000x128xf32, #tpu.memory_space<vmem_shared>>
      tpu.enqueue_indirect_dma source(%arg9 : memref<80x128xf32, #tpu.memory_space<vmem>>) target(%dma_start3A_25 : memref<10000x128xf32, #tpu.memory_space<vmem_shared>>) offsets(%dma_start3A_22 : memref<80xi32, #tpu.memory_space<vmem>>) semaphore(%run_scoped3A_19 : memref<!tpu.dma_semaphore, #tpu.memory_space<semaphore_mem>>) {add = true}
      %dma_wait3A_26 = arith.constant 0 : i32
      %dma_wait3A_27 = tpu.memref_slice %arg8[%run_scoped3A, %dma_wait3A_26] : memref<125x80xi32, #tpu.memory_space<vmem>> -> memref<1x80xi32, #tpu.memory_space<vmem>>
      %dma_wait3A_28 = tpu.memref_squeeze %dma_wait3A_27 : memref<1x80xi32, #tpu.memory_space<vmem>> -> memref<80xi32, #tpu.memory_space<vmem>>
      %dma_wait3A_29 = arith.constant 0 : i32
      %dma_wait3A_30 = arith.constant 0 : i32
      %dma_wait3A_31 = tpu.memref_slice %arg11[%dma_wait3A_29, %dma_wait3A_30] : memref<10000x128xf32, #tpu.memory_space<vmem_shared>> -> memref<10000x128xf32, #tpu.memory_space<vmem_shared>>
      tpu.wait_indirect_dma semaphore(%run_scoped3A_19 : memref<!tpu.dma_semaphore, #tpu.memory_space<semaphore_mem>>) src(%arg9 : memref<80x128xf32, #tpu.memory_space<vmem>>) dst(%dma_wait3A_31 : memref<10000x128xf32, #tpu.memory_space<vmem_shared>>)
      tpu.yield
    }) : () -> ()
    %barrier3A_18 = arith.constant 0 : index
    tpu.barrier barrier_id(%barrier3A_18)
    "tpu.region"() ({
      %run_scoped3A_19 = tpu.sem_alloc : memref<!tpu.dma_semaphore, #tpu.memory_space<semaphore_mem>>
      %dma_start3A_20 = arith.constant 0 : i32
      %dma_start3A_21 = arith.constant 0 : i32
      %dma_start3A_22 = tpu.memref_slice %arg6[%arg0, %arg1, %dma_start3A_20, %dma_start3A_21] : memref<2x16x625x128xf32, #tpu.memory_space<hbm>> -> memref<1x1x625x128xf32, #tpu.memory_space<hbm>>
      %dma_start3A_23 = tpu.memref_squeeze %dma_start3A_22 : memref<1x1x625x128xf32, #tpu.memory_space<hbm>> -> memref<625x128xf32, #tpu.memory_space<hbm>>
      %dma_start3A_24 = arith.constant 0 : i32
      %dma_start3A_25 = tpu.memref_slice %arg11[%mul3A_2, %dma_start3A_24] : memref<10000x128xf32, #tpu.memory_space<vmem_shared>> -> memref<625x128xf32, #tpu.memory_space<vmem_shared>>
      tpu.enqueue_dma source(%dma_start3A_25 : memref<625x128xf32, #tpu.memory_space<vmem_shared>>) target(%dma_start3A_23 : memref<625x128xf32, #tpu.memory_space<hbm>>) target_semaphore(%run_scoped3A_19 : memref<!tpu.dma_semaphore, #tpu.memory_space<semaphore_mem>>)
      %dma_wait3A_26 = arith.constant 0 : i32
      %dma_wait3A_27 = arith.constant 0 : i32
      %dma_wait3A_28 = tpu.memref_slice %arg6[%arg0, %arg1, %dma_wait3A_26, %dma_wait3A_27] : memref<2x16x625x128xf32, #tpu.memory_space<hbm>> -> memref<1x1x625x128xf32, #tpu.memory_space<hbm>>
      %dma_wait3A_29 = tpu.memref_squeeze %dma_wait3A_28 : memref<1x1x625x128xf32, #tpu.memory_space<hbm>> -> memref<625x128xf32, #tpu.memory_space<hbm>>
      %dma_wait3A_30 = arith.constant 0 : i32
      %dma_wait3A_31 = tpu.memref_slice %arg11[%mul3A_2, %dma_wait3A_30] : memref<10000x128xf32, #tpu.memory_space<vmem_shared>> -> memref<625x128xf32, #tpu.memory_space<vmem_shared>>
      tpu.wait_dma2 semaphore(%run_scoped3A_19 : memref<!tpu.dma_semaphore, #tpu.memory_space<semaphore_mem>>) src(%dma_wait3A_31 : memref<625x128xf32, #tpu.memory_space<vmem_shared>>) dst(%dma_wait3A_29 : memref<625x128xf32, #tpu.memory_space<hbm>>)
      tpu.yield
    }) : () -> ()
    return
  }
}

#map = affine_map<(d0, d1) -> (0, 0)>
#map1 = affine_map<(d0, d1) -> (0)>
#map2 = affine_map<(d0, d1) -> (0, 0, 0)>
#map3 = affine_map<(d0, d1) -> (0, 0, 0, 0)>
module attributes {stable_mosaic.version = 14 : i64} {
  func.func @_agg_body(%arg0: i32, %arg1: i32, %arg2: memref<10000x128xf32, #tpu.memory_space<hbm>>, %arg3: memref<320000xi32, #tpu.memory_space<hbm>>, %arg4: memref<32x125x80xi32, #tpu.memory_space<hbm>>, %arg5: memref<625x128xf32, #tpu.memory_space<hbm>>, %arg6: memref<2x16x625x128xf32, #tpu.memory_space<hbm>>, %arg7: memref<10000xi32, #tpu.memory_space<vmem>>, %arg8: memref<125x80xi32, #tpu.memory_space<vmem>>, %arg9: memref<80x128xf32, #tpu.memory_space<vmem>>, %arg10: memref<80x128xf32, #tpu.memory_space<vmem>>, %arg11: memref<10000x128xf32, #tpu.memory_space<vmem_shared>>, %arg12: memref<!tpu.dma_semaphore, #tpu.memory_space<semaphore_mem>>, %arg13: memref<!tpu.dma_semaphore, #tpu.memory_space<semaphore_mem>>) attributes {dimension_semantics = [#tpu.dimension_semantics<core_parallel>, #tpu.dimension_semantics<subcore_parallel>], iteration_bounds = array<i64: 2, 16>, scalar_prefetch = 0 : i64, scratch_operands = 7 : i64, tpu.core_type = #tpu.core_type<sc_vector_subcore>, window_params = [{transform_indices = #map}, {transform_indices = #map1}, {transform_indices = #map2}, {transform_indices = #map}, {transform_indices = #map3}]} {
    %mul3A = arith.constant 2 : i32
    %mul3A_0 = arith.muli %arg1, %mul3A : i32
    %add3A = arith.addi %mul3A_0, %arg0 : i32
    %mul3A_1 = arith.constant 625 : i32
    %mul3A_2 = arith.muli %arg1, %mul3A_1 : i32
    "tpu.region"() ({
      %run_scoped3A_19 = tpu.sem_alloc : memref<!tpu.dma_semaphore, #tpu.memory_space<semaphore_mem>>
      %dma_start3A_20 = arith.constant 0 : i32
      %dma_start3A_21 = tpu.memref_slice %arg11[%mul3A_2, %dma_start3A_20] : memref<10000x128xf32, #tpu.memory_space<vmem_shared>> -> memref<625x128xf32, #tpu.memory_space<vmem_shared>>
      tpu.enqueue_dma source(%arg5 : memref<625x128xf32, #tpu.memory_space<hbm>>) target(%dma_start3A_21 : memref<625x128xf32, #tpu.memory_space<vmem_shared>>) target_semaphore(%run_scoped3A_19 : memref<!tpu.dma_semaphore, #tpu.memory_space<semaphore_mem>>)
      %dma_wait3A_22 = arith.constant 0 : i32
      %dma_wait3A_23 = tpu.memref_slice %arg11[%mul3A_2, %dma_wait3A_22] : memref<10000x128xf32, #tpu.memory_space<vmem_shared>> -> memref<625x128xf32, #tpu.memory_space<vmem_shared>>
      tpu.wait_dma2 semaphore(%run_scoped3A_19 : memref<!tpu.dma_semaphore, #tpu.memory_space<semaphore_mem>>) src(%arg5 : memref<625x128xf32, #tpu.memory_space<hbm>>) dst(%dma_wait3A_23 : memref<625x128xf32, #tpu.memory_space<vmem_shared>>)
      tpu.yield
    }) : () -> ()
    %mul3A_3 = arith.constant 10000 : i32
    %mul3A_4 = arith.muli %add3A, %mul3A_3 : i32
    "tpu.region"() ({
      %run_scoped3A_19 = tpu.sem_alloc : memref<!tpu.dma_semaphore, #tpu.memory_space<semaphore_mem>>
      %dma_start3A_20 = tpu.memref_slice %arg3[%mul3A_4] : memref<320000xi32, #tpu.memory_space<hbm>> -> memref<10000xi32, #tpu.memory_space<hbm>>
      %dma_start3A_21 = tpu.memref_slice %arg3[%mul3A_4] : memref<320000xi32, #tpu.memory_space<hbm>> -> memref<10000xi32, #tpu.memory_space<hbm>>
      tpu.enqueue_dma source(%dma_start3A_21 : memref<10000xi32, #tpu.memory_space<hbm>>) target(%arg7 : memref<10000xi32, #tpu.memory_space<vmem>>) target_semaphore(%run_scoped3A_19 : memref<!tpu.dma_semaphore, #tpu.memory_space<semaphore_mem>>)
      %dma_wait3A_22 = tpu.memref_slice %arg3[%mul3A_4] : memref<320000xi32, #tpu.memory_space<hbm>> -> memref<10000xi32, #tpu.memory_space<hbm>>
      %dma_wait3A_23 = tpu.memref_slice %arg3[%mul3A_4] : memref<320000xi32, #tpu.memory_space<hbm>> -> memref<10000xi32, #tpu.memory_space<hbm>>
      tpu.wait_dma2 semaphore(%run_scoped3A_19 : memref<!tpu.dma_semaphore, #tpu.memory_space<semaphore_mem>>) src(%dma_wait3A_23 : memref<10000xi32, #tpu.memory_space<hbm>>) dst(%arg7 : memref<10000xi32, #tpu.memory_space<vmem>>)
      tpu.yield
    }) : () -> ()
    "tpu.region"() ({
      %run_scoped3A_19 = tpu.sem_alloc : memref<!tpu.dma_semaphore, #tpu.memory_space<semaphore_mem>>
      %dma_start3A_20 = arith.constant 0 : i32
      %dma_start3A_21 = arith.constant 0 : i32
      %dma_start3A_22 = tpu.memref_slice %arg4[%add3A, %dma_start3A_20, %dma_start3A_21] : memref<32x125x80xi32, #tpu.memory_space<hbm>> -> memref<1x125x80xi32, #tpu.memory_space<hbm>>
      %dma_start3A_23 = tpu.memref_squeeze %dma_start3A_22 : memref<1x125x80xi32, #tpu.memory_space<hbm>> -> memref<125x80xi32, #tpu.memory_space<hbm>>
      %dma_start3A_24 = arith.constant 0 : i32
      %dma_start3A_25 = arith.constant 0 : i32
      %dma_start3A_26 = tpu.memref_slice %arg4[%add3A, %dma_start3A_24, %dma_start3A_25] : memref<32x125x80xi32, #tpu.memory_space<hbm>> -> memref<1x125x80xi32, #tpu.memory_space<hbm>>
      %dma_start3A_27 = tpu.memref_squeeze %dma_start3A_26 : memref<1x125x80xi32, #tpu.memory_space<hbm>> -> memref<125x80xi32, #tpu.memory_space<hbm>>
      tpu.enqueue_dma source(%dma_start3A_27 : memref<125x80xi32, #tpu.memory_space<hbm>>) target(%arg8 : memref<125x80xi32, #tpu.memory_space<vmem>>) target_semaphore(%run_scoped3A_19 : memref<!tpu.dma_semaphore, #tpu.memory_space<semaphore_mem>>)
      %dma_wait3A_28 = arith.constant 0 : i32
      %dma_wait3A_29 = arith.constant 0 : i32
      %dma_wait3A_30 = tpu.memref_slice %arg4[%add3A, %dma_wait3A_28, %dma_wait3A_29] : memref<32x125x80xi32, #tpu.memory_space<hbm>> -> memref<1x125x80xi32, #tpu.memory_space<hbm>>
      %dma_wait3A_31 = tpu.memref_squeeze %dma_wait3A_30 : memref<1x125x80xi32, #tpu.memory_space<hbm>> -> memref<125x80xi32, #tpu.memory_space<hbm>>
      %dma_wait3A_32 = arith.constant 0 : i32
      %dma_wait3A_33 = arith.constant 0 : i32
      %dma_wait3A_34 = tpu.memref_slice %arg4[%add3A, %dma_wait3A_32, %dma_wait3A_33] : memref<32x125x80xi32, #tpu.memory_space<hbm>> -> memref<1x125x80xi32, #tpu.memory_space<hbm>>
      %dma_wait3A_35 = tpu.memref_squeeze %dma_wait3A_34 : memref<1x125x80xi32, #tpu.memory_space<hbm>> -> memref<125x80xi32, #tpu.memory_space<hbm>>
      tpu.wait_dma2 semaphore(%run_scoped3A_19 : memref<!tpu.dma_semaphore, #tpu.memory_space<semaphore_mem>>) src(%dma_wait3A_35 : memref<125x80xi32, #tpu.memory_space<hbm>>) dst(%arg8 : memref<125x80xi32, #tpu.memory_space<vmem>>)
      tpu.yield
    }) : () -> ()
    %barrier3A = arith.constant 0 : index
    tpu.barrier barrier_id(%barrier3A)
    %dma_start3A = arith.constant 0 : i32
    %dma_start3A_5 = tpu.memref_slice %arg7[%dma_start3A] : memref<10000xi32, #tpu.memory_space<vmem>> -> memref<80xi32, #tpu.memory_space<vmem>>
    %dma_start3A_6 = arith.constant 0 : i32
    %dma_start3A_7 = arith.constant 0 : i32
    %dma_start3A_8 = tpu.memref_slice %arg2[%dma_start3A_6, %dma_start3A_7] : memref<10000x128xf32, #tpu.memory_space<hbm>> -> memref<10000x128xf32, #tpu.memory_space<hbm>>
    tpu.enqueue_indirect_dma source(%dma_start3A_8 : memref<10000x128xf32, #tpu.memory_space<hbm>>) target(%arg9 : memref<80x128xf32, #tpu.memory_space<vmem>>) offsets(%dma_start3A_5 : memref<80xi32, #tpu.memory_space<vmem>>) semaphore(%arg12 : memref<!tpu.dma_semaphore, #tpu.memory_space<semaphore_mem>>)
    %scan3A = arith.constant 0 : i32
    %scan3A_9 = arith.constant 0 : i32
    %scan3A_10 = arith.constant 62 : i32
    %scan3A_11 = arith.addi %scan3A_9, %scan3A_10 : i32
    %scan3A_12 = arith.constant 1 : i32
    scf.for %scan3A_19 = %scan3A_9 to %scan3A_11 step %scan3A_12  : i32 {
      %mul3A_20 = arith.constant 2 : i32
      %mul3A_21 = arith.muli %mul3A_20, %scan3A_19 : i32
      %add3A_22 = arith.constant 1 : i32
      %add3A_23 = arith.addi %mul3A_21, %add3A_22 : i32
      %mul3A_24 = arith.constant 80 : i32
      %mul3A_25 = arith.muli %add3A_23, %mul3A_24 : i32
      %dma_start3A_26 = tpu.memref_slice %arg7[%mul3A_25] : memref<10000xi32, #tpu.memory_space<vmem>> -> memref<80xi32, #tpu.memory_space<vmem>>
      %dma_start3A_27 = arith.constant 0 : i32
      %dma_start3A_28 = arith.constant 0 : i32
      %dma_start3A_29 = tpu.memref_slice %arg2[%dma_start3A_27, %dma_start3A_28] : memref<10000x128xf32, #tpu.memory_space<hbm>> -> memref<10000x128xf32, #tpu.memory_space<hbm>>
      tpu.enqueue_indirect_dma source(%dma_start3A_29 : memref<10000x128xf32, #tpu.memory_space<hbm>>) target(%arg10 : memref<80x128xf32, #tpu.memory_space<vmem>>) offsets(%dma_start3A_26 : memref<80xi32, #tpu.memory_space<vmem>>) semaphore(%arg13 : memref<!tpu.dma_semaphore, #tpu.memory_space<semaphore_mem>>)
      %mul3A_30 = arith.constant 80 : i32
      %mul3A_31 = arith.muli %mul3A_21, %mul3A_30 : i32
      %dma_wait3A_32 = tpu.memref_slice %arg7[%mul3A_31] : memref<10000xi32, #tpu.memory_space<vmem>> -> memref<80xi32, #tpu.memory_space<vmem>>
      %dma_wait3A_33 = arith.constant 0 : i32
      %dma_wait3A_34 = arith.constant 0 : i32
      %dma_wait3A_35 = tpu.memref_slice %arg2[%dma_wait3A_33, %dma_wait3A_34] : memref<10000x128xf32, #tpu.memory_space<hbm>> -> memref<10000x128xf32, #tpu.memory_space<hbm>>
      tpu.wait_indirect_dma semaphore(%arg12 : memref<!tpu.dma_semaphore, #tpu.memory_space<semaphore_mem>>) src(%dma_wait3A_35 : memref<10000x128xf32, #tpu.memory_space<hbm>>) dst(%arg9 : memref<80x128xf32, #tpu.memory_space<vmem>>)
      "tpu.region"() ({
        %run_scoped3A_50 = tpu.sem_alloc : memref<!tpu.dma_semaphore, #tpu.memory_space<semaphore_mem>>
        %dma_start3A_51 = arith.constant 0 : i32
        %dma_start3A_52 = tpu.memref_slice %arg8[%mul3A_21, %dma_start3A_51] : memref<125x80xi32, #tpu.memory_space<vmem>> -> memref<1x80xi32, #tpu.memory_space<vmem>>
        %dma_start3A_53 = tpu.memref_squeeze %dma_start3A_52 : memref<1x80xi32, #tpu.memory_space<vmem>> -> memref<80xi32, #tpu.memory_space<vmem>>
        %dma_start3A_54 = arith.constant 0 : i32
        %dma_start3A_55 = arith.constant 0 : i32
        %dma_start3A_56 = tpu.memref_slice %arg11[%dma_start3A_54, %dma_start3A_55] : memref<10000x128xf32, #tpu.memory_space<vmem_shared>> -> memref<10000x128xf32, #tpu.memory_space<vmem_shared>>
        tpu.enqueue_indirect_dma source(%arg9 : memref<80x128xf32, #tpu.memory_space<vmem>>) target(%dma_start3A_56 : memref<10000x128xf32, #tpu.memory_space<vmem_shared>>) offsets(%dma_start3A_53 : memref<80xi32, #tpu.memory_space<vmem>>) semaphore(%run_scoped3A_50 : memref<!tpu.dma_semaphore, #tpu.memory_space<semaphore_mem>>) {add = true}
        %dma_wait3A_57 = arith.constant 0 : i32
        %dma_wait3A_58 = tpu.memref_slice %arg8[%mul3A_21, %dma_wait3A_57] : memref<125x80xi32, #tpu.memory_space<vmem>> -> memref<1x80xi32, #tpu.memory_space<vmem>>
        %dma_wait3A_59 = tpu.memref_squeeze %dma_wait3A_58 : memref<1x80xi32, #tpu.memory_space<vmem>> -> memref<80xi32, #tpu.memory_space<vmem>>
        %dma_wait3A_60 = arith.constant 0 : i32
        %dma_wait3A_61 = arith.constant 0 : i32
        %dma_wait3A_62 = tpu.memref_slice %arg11[%dma_wait3A_60, %dma_wait3A_61] : memref<10000x128xf32, #tpu.memory_space<vmem_shared>> -> memref<10000x128xf32, #tpu.memory_space<vmem_shared>>
        tpu.wait_indirect_dma semaphore(%run_scoped3A_50 : memref<!tpu.dma_semaphore, #tpu.memory_space<semaphore_mem>>) src(%arg9 : memref<80x128xf32, #tpu.memory_space<vmem>>) dst(%dma_wait3A_62 : memref<10000x128xf32, #tpu.memory_space<vmem_shared>>)
        tpu.yield
      }) : () -> ()
      %add3A_36 = arith.constant 2 : i32
      %add3A_37 = arith.addi %mul3A_21, %add3A_36 : i32
      %mul3A_38 = arith.constant 80 : i32
      %mul3A_39 = arith.muli %add3A_37, %mul3A_38 : i32
      %dma_start3A_40 = tpu.memref_slice %arg7[%mul3A_39] : memref<10000xi32, #tpu.memory_space<vmem>> -> memref<80xi32, #tpu.memory_space<vmem>>
      %dma_start3A_41 = arith.constant 0 : i32
      %dma_start3A_42 = arith.constant 0 : i32
      %dma_start3A_43 = tpu.memref_slice %arg2[%dma_start3A_41, %dma_start3A_42] : memref<10000x128xf32, #tpu.memory_space<hbm>> -> memref<10000x128xf32, #tpu.memory_space<hbm>>
      tpu.enqueue_indirect_dma source(%dma_start3A_43 : memref<10000x128xf32, #tpu.memory_space<hbm>>) target(%arg9 : memref<80x128xf32, #tpu.memory_space<vmem>>) offsets(%dma_start3A_40 : memref<80xi32, #tpu.memory_space<vmem>>) semaphore(%arg12 : memref<!tpu.dma_semaphore, #tpu.memory_space<semaphore_mem>>)
      %mul3A_44 = arith.constant 80 : i32
      %mul3A_45 = arith.muli %add3A_23, %mul3A_44 : i32
      %dma_wait3A_46 = tpu.memref_slice %arg7[%mul3A_45] : memref<10000xi32, #tpu.memory_space<vmem>> -> memref<80xi32, #tpu.memory_space<vmem>>
      %dma_wait3A_47 = arith.constant 0 : i32
      %dma_wait3A_48 = arith.constant 0 : i32
      %dma_wait3A_49 = tpu.memref_slice %arg2[%dma_wait3A_47, %dma_wait3A_48] : memref<10000x128xf32, #tpu.memory_space<hbm>> -> memref<10000x128xf32, #tpu.memory_space<hbm>>
      tpu.wait_indirect_dma semaphore(%arg13 : memref<!tpu.dma_semaphore, #tpu.memory_space<semaphore_mem>>) src(%dma_wait3A_49 : memref<10000x128xf32, #tpu.memory_space<hbm>>) dst(%arg10 : memref<80x128xf32, #tpu.memory_space<vmem>>)
      "tpu.region"() ({
        %run_scoped3A_50 = tpu.sem_alloc : memref<!tpu.dma_semaphore, #tpu.memory_space<semaphore_mem>>
        %dma_start3A_51 = arith.constant 0 : i32
        %dma_start3A_52 = tpu.memref_slice %arg8[%add3A_23, %dma_start3A_51] : memref<125x80xi32, #tpu.memory_space<vmem>> -> memref<1x80xi32, #tpu.memory_space<vmem>>
        %dma_start3A_53 = tpu.memref_squeeze %dma_start3A_52 : memref<1x80xi32, #tpu.memory_space<vmem>> -> memref<80xi32, #tpu.memory_space<vmem>>
        %dma_start3A_54 = arith.constant 0 : i32
        %dma_start3A_55 = arith.constant 0 : i32
        %dma_start3A_56 = tpu.memref_slice %arg11[%dma_start3A_54, %dma_start3A_55] : memref<10000x128xf32, #tpu.memory_space<vmem_shared>> -> memref<10000x128xf32, #tpu.memory_space<vmem_shared>>
        tpu.enqueue_indirect_dma source(%arg10 : memref<80x128xf32, #tpu.memory_space<vmem>>) target(%dma_start3A_56 : memref<10000x128xf32, #tpu.memory_space<vmem_shared>>) offsets(%dma_start3A_53 : memref<80xi32, #tpu.memory_space<vmem>>) semaphore(%run_scoped3A_50 : memref<!tpu.dma_semaphore, #tpu.memory_space<semaphore_mem>>) {add = true}
        %dma_wait3A_57 = arith.constant 0 : i32
        %dma_wait3A_58 = tpu.memref_slice %arg8[%add3A_23, %dma_wait3A_57] : memref<125x80xi32, #tpu.memory_space<vmem>> -> memref<1x80xi32, #tpu.memory_space<vmem>>
        %dma_wait3A_59 = tpu.memref_squeeze %dma_wait3A_58 : memref<1x80xi32, #tpu.memory_space<vmem>> -> memref<80xi32, #tpu.memory_space<vmem>>
        %dma_wait3A_60 = arith.constant 0 : i32
        %dma_wait3A_61 = arith.constant 0 : i32
        %dma_wait3A_62 = tpu.memref_slice %arg11[%dma_wait3A_60, %dma_wait3A_61] : memref<10000x128xf32, #tpu.memory_space<vmem_shared>> -> memref<10000x128xf32, #tpu.memory_space<vmem_shared>>
        tpu.wait_indirect_dma semaphore(%run_scoped3A_50 : memref<!tpu.dma_semaphore, #tpu.memory_space<semaphore_mem>>) src(%arg10 : memref<80x128xf32, #tpu.memory_space<vmem>>) dst(%dma_wait3A_62 : memref<10000x128xf32, #tpu.memory_space<vmem_shared>>)
        tpu.yield
      }) : () -> ()
    }
    %scan3A_13 = arith.constant 62 : i32
    %dma_wait3A = arith.constant 9920 : i32
    %dma_wait3A_14 = tpu.memref_slice %arg7[%dma_wait3A] : memref<10000xi32, #tpu.memory_space<vmem>> -> memref<80xi32, #tpu.memory_space<vmem>>
    %dma_wait3A_15 = arith.constant 0 : i32
    %dma_wait3A_16 = arith.constant 0 : i32
    %dma_wait3A_17 = tpu.memref_slice %arg2[%dma_wait3A_15, %dma_wait3A_16] : memref<10000x128xf32, #tpu.memory_space<hbm>> -> memref<10000x128xf32, #tpu.memory_space<hbm>>
    tpu.wait_indirect_dma semaphore(%arg12 : memref<!tpu.dma_semaphore, #tpu.memory_space<semaphore_mem>>) src(%dma_wait3A_17 : memref<10000x128xf32, #tpu.memory_space<hbm>>) dst(%arg9 : memref<80x128xf32, #tpu.memory_space<vmem>>)
    %run_scoped3A = arith.constant 124 : i32
    "tpu.region"() ({
      %run_scoped3A_19 = tpu.sem_alloc : memref<!tpu.dma_semaphore, #tpu.memory_space<semaphore_mem>>
      %dma_start3A_20 = arith.constant 0 : i32
      %dma_start3A_21 = tpu.memref_slice %arg8[%run_scoped3A, %dma_start3A_20] : memref<125x80xi32, #tpu.memory_space<vmem>> -> memref<1x80xi32, #tpu.memory_space<vmem>>
      %dma_start3A_22 = tpu.memref_squeeze %dma_start3A_21 : memref<1x80xi32, #tpu.memory_space<vmem>> -> memref<80xi32, #tpu.memory_space<vmem>>
      %dma_start3A_23 = arith.constant 0 : i32
      %dma_start3A_24 = arith.constant 0 : i32
      %dma_start3A_25 = tpu.memref_slice %arg11[%dma_start3A_23, %dma_start3A_24] : memref<10000x128xf32, #tpu.memory_space<vmem_shared>> -> memref<10000x128xf32, #tpu.memory_space<vmem_shared>>
      tpu.enqueue_indirect_dma source(%arg9 : memref<80x128xf32, #tpu.memory_space<vmem>>) target(%dma_start3A_25 : memref<10000x128xf32, #tpu.memory_space<vmem_shared>>) offsets(%dma_start3A_22 : memref<80xi32, #tpu.memory_space<vmem>>) semaphore(%run_scoped3A_19 : memref<!tpu.dma_semaphore, #tpu.memory_space<semaphore_mem>>) {add = true}
      %dma_wait3A_26 = arith.constant 0 : i32
      %dma_wait3A_27 = tpu.memref_slice %arg8[%run_scoped3A, %dma_wait3A_26] : memref<125x80xi32, #tpu.memory_space<vmem>> -> memref<1x80xi32, #tpu.memory_space<vmem>>
      %dma_wait3A_28 = tpu.memref_squeeze %dma_wait3A_27 : memref<1x80xi32, #tpu.memory_space<vmem>> -> memref<80xi32, #tpu.memory_space<vmem>>
      %dma_wait3A_29 = arith.constant 0 : i32
      %dma_wait3A_30 = arith.constant 0 : i32
      %dma_wait3A_31 = tpu.memref_slice %arg11[%dma_wait3A_29, %dma_wait3A_30] : memref<10000x128xf32, #tpu.memory_space<vmem_shared>> -> memref<10000x128xf32, #tpu.memory_space<vmem_shared>>
      tpu.wait_indirect_dma semaphore(%run_scoped3A_19 : memref<!tpu.dma_semaphore, #tpu.memory_space<semaphore_mem>>) src(%arg9 : memref<80x128xf32, #tpu.memory_space<vmem>>) dst(%dma_wait3A_31 : memref<10000x128xf32, #tpu.memory_space<vmem_shared>>)
      tpu.yield
    }) : () -> ()
    %barrier3A_18 = arith.constant 0 : index
    tpu.barrier barrier_id(%barrier3A_18)
    "tpu.region"() ({
      %run_scoped3A_19 = tpu.sem_alloc : memref<!tpu.dma_semaphore, #tpu.memory_space<semaphore_mem>>
      %dma_start3A_20 = arith.constant 0 : i32
      %dma_start3A_21 = arith.constant 0 : i32
      %dma_start3A_22 = tpu.memref_slice %arg6[%arg0, %arg1, %dma_start3A_20, %dma_start3A_21] : memref<2x16x625x128xf32, #tpu.memory_space<hbm>> -> memref<1x1x625x128xf32, #tpu.memory_space<hbm>>
      %dma_start3A_23 = tpu.memref_squeeze %dma_start3A_22 : memref<1x1x625x128xf32, #tpu.memory_space<hbm>> -> memref<625x128xf32, #tpu.memory_space<hbm>>
      %dma_start3A_24 = arith.constant 0 : i32
      %dma_start3A_25 = tpu.memref_slice %arg11[%mul3A_2, %dma_start3A_24] : memref<10000x128xf32, #tpu.memory_space<vmem_shared>> -> memref<625x128xf32, #tpu.memory_space<vmem_shared>>
      tpu.enqueue_dma source(%dma_start3A_25 : memref<625x128xf32, #tpu.memory_space<vmem_shared>>) target(%dma_start3A_23 : memref<625x128xf32, #tpu.memory_space<hbm>>) target_semaphore(%run_scoped3A_19 : memref<!tpu.dma_semaphore, #tpu.memory_space<semaphore_mem>>)
      %dma_wait3A_26 = arith.constant 0 : i32
      %dma_wait3A_27 = arith.constant 0 : i32
      %dma_wait3A_28 = tpu.memref_slice %arg6[%arg0, %arg1, %dma_wait3A_26, %dma_wait3A_27] : memref<2x16x625x128xf32, #tpu.memory_space<hbm>> -> memref<1x1x625x128xf32, #tpu.memory_space<hbm>>
      %dma_wait3A_29 = tpu.memref_squeeze %dma_wait3A_28 : memref<1x1x625x128xf32, #tpu.memory_space<hbm>> -> memref<625x128xf32, #tpu.memory_space<hbm>>
      %dma_wait3A_30 = arith.constant 0 : i32
      %dma_wait3A_31 = tpu.memref_slice %arg11[%mul3A_2, %dma_wait3A_30] : memref<10000x128xf32, #tpu.memory_space<vmem_shared>> -> memref<625x128xf32, #tpu.memory_space<vmem_shared>>
      tpu.wait_dma2 semaphore(%run_scoped3A_19 : memref<!tpu.dma_semaphore, #tpu.memory_space<semaphore_mem>>) src(%dma_wait3A_31 : memref<625x128xf32, #tpu.memory_space<vmem_shared>>) dst(%dma_wait3A_29 : memref<625x128xf32, #tpu.memory_space<hbm>>)
      tpu.yield
    }) : () -> ()
    return
  }
}

#map = affine_map<(d0, d1) -> (0, 0)>
#map1 = affine_map<(d0, d1) -> (0)>
#map2 = affine_map<(d0, d1) -> (0, 0, 0)>
#map3 = affine_map<(d0, d1) -> (0, 0, 0, 0)>
module attributes {stable_mosaic.version = 14 : i64} {
  func.func @_agg_body(%arg0: i32, %arg1: i32, %arg2: memref<10000x128xf32, #tpu.memory_space<hbm>>, %arg3: memref<320000xi32, #tpu.memory_space<hbm>>, %arg4: memref<32x125x80xi32, #tpu.memory_space<hbm>>, %arg5: memref<625x128xf32, #tpu.memory_space<hbm>>, %arg6: memref<2x16x625x128xf32, #tpu.memory_space<hbm>>, %arg7: memref<10000xi32, #tpu.memory_space<vmem>>, %arg8: memref<125x80xi32, #tpu.memory_space<vmem>>, %arg9: memref<80x128xf32, #tpu.memory_space<vmem>>, %arg10: memref<80x128xf32, #tpu.memory_space<vmem>>, %arg11: memref<10000x128xf32, #tpu.memory_space<vmem_shared>>, %arg12: memref<!tpu.dma_semaphore, #tpu.memory_space<semaphore_mem>>, %arg13: memref<!tpu.dma_semaphore, #tpu.memory_space<semaphore_mem>>) attributes {dimension_semantics = [#tpu.dimension_semantics<core_parallel>, #tpu.dimension_semantics<subcore_parallel>], iteration_bounds = array<i64: 2, 16>, scalar_prefetch = 0 : i64, scratch_operands = 7 : i64, tpu.core_type = #tpu.core_type<sc_vector_subcore>, window_params = [{transform_indices = #map}, {transform_indices = #map1}, {transform_indices = #map2}, {transform_indices = #map}, {transform_indices = #map3}]} {
    %mul3A = arith.constant 2 : i32
    %mul3A_0 = arith.muli %arg1, %mul3A : i32
    %add3A = arith.addi %mul3A_0, %arg0 : i32
    %mul3A_1 = arith.constant 625 : i32
    %mul3A_2 = arith.muli %arg1, %mul3A_1 : i32
    "tpu.region"() ({
      %run_scoped3A_19 = tpu.sem_alloc : memref<!tpu.dma_semaphore, #tpu.memory_space<semaphore_mem>>
      %dma_start3A_20 = arith.constant 0 : i32
      %dma_start3A_21 = tpu.memref_slice %arg11[%mul3A_2, %dma_start3A_20] : memref<10000x128xf32, #tpu.memory_space<vmem_shared>> -> memref<625x128xf32, #tpu.memory_space<vmem_shared>>
      tpu.enqueue_dma source(%arg5 : memref<625x128xf32, #tpu.memory_space<hbm>>) target(%dma_start3A_21 : memref<625x128xf32, #tpu.memory_space<vmem_shared>>) target_semaphore(%run_scoped3A_19 : memref<!tpu.dma_semaphore, #tpu.memory_space<semaphore_mem>>)
      %dma_wait3A_22 = arith.constant 0 : i32
      %dma_wait3A_23 = tpu.memref_slice %arg11[%mul3A_2, %dma_wait3A_22] : memref<10000x128xf32, #tpu.memory_space<vmem_shared>> -> memref<625x128xf32, #tpu.memory_space<vmem_shared>>
      tpu.wait_dma2 semaphore(%run_scoped3A_19 : memref<!tpu.dma_semaphore, #tpu.memory_space<semaphore_mem>>) src(%arg5 : memref<625x128xf32, #tpu.memory_space<hbm>>) dst(%dma_wait3A_23 : memref<625x128xf32, #tpu.memory_space<vmem_shared>>)
      tpu.yield
    }) : () -> ()
    %mul3A_3 = arith.constant 10000 : i32
    %mul3A_4 = arith.muli %add3A, %mul3A_3 : i32
    "tpu.region"() ({
      %run_scoped3A_19 = tpu.sem_alloc : memref<!tpu.dma_semaphore, #tpu.memory_space<semaphore_mem>>
      %dma_start3A_20 = tpu.memref_slice %arg3[%mul3A_4] : memref<320000xi32, #tpu.memory_space<hbm>> -> memref<10000xi32, #tpu.memory_space<hbm>>
      %dma_start3A_21 = tpu.memref_slice %arg3[%mul3A_4] : memref<320000xi32, #tpu.memory_space<hbm>> -> memref<10000xi32, #tpu.memory_space<hbm>>
      tpu.enqueue_dma source(%dma_start3A_21 : memref<10000xi32, #tpu.memory_space<hbm>>) target(%arg7 : memref<10000xi32, #tpu.memory_space<vmem>>) target_semaphore(%run_scoped3A_19 : memref<!tpu.dma_semaphore, #tpu.memory_space<semaphore_mem>>)
      %dma_wait3A_22 = tpu.memref_slice %arg3[%mul3A_4] : memref<320000xi32, #tpu.memory_space<hbm>> -> memref<10000xi32, #tpu.memory_space<hbm>>
      %dma_wait3A_23 = tpu.memref_slice %arg3[%mul3A_4] : memref<320000xi32, #tpu.memory_space<hbm>> -> memref<10000xi32, #tpu.memory_space<hbm>>
      tpu.wait_dma2 semaphore(%run_scoped3A_19 : memref<!tpu.dma_semaphore, #tpu.memory_space<semaphore_mem>>) src(%dma_wait3A_23 : memref<10000xi32, #tpu.memory_space<hbm>>) dst(%arg7 : memref<10000xi32, #tpu.memory_space<vmem>>)
      tpu.yield
    }) : () -> ()
    "tpu.region"() ({
      %run_scoped3A_19 = tpu.sem_alloc : memref<!tpu.dma_semaphore, #tpu.memory_space<semaphore_mem>>
      %dma_start3A_20 = arith.constant 0 : i32
      %dma_start3A_21 = arith.constant 0 : i32
      %dma_start3A_22 = tpu.memref_slice %arg4[%add3A, %dma_start3A_20, %dma_start3A_21] : memref<32x125x80xi32, #tpu.memory_space<hbm>> -> memref<1x125x80xi32, #tpu.memory_space<hbm>>
      %dma_start3A_23 = tpu.memref_squeeze %dma_start3A_22 : memref<1x125x80xi32, #tpu.memory_space<hbm>> -> memref<125x80xi32, #tpu.memory_space<hbm>>
      %dma_start3A_24 = arith.constant 0 : i32
      %dma_start3A_25 = arith.constant 0 : i32
      %dma_start3A_26 = tpu.memref_slice %arg4[%add3A, %dma_start3A_24, %dma_start3A_25] : memref<32x125x80xi32, #tpu.memory_space<hbm>> -> memref<1x125x80xi32, #tpu.memory_space<hbm>>
      %dma_start3A_27 = tpu.memref_squeeze %dma_start3A_26 : memref<1x125x80xi32, #tpu.memory_space<hbm>> -> memref<125x80xi32, #tpu.memory_space<hbm>>
      tpu.enqueue_dma source(%dma_start3A_27 : memref<125x80xi32, #tpu.memory_space<hbm>>) target(%arg8 : memref<125x80xi32, #tpu.memory_space<vmem>>) target_semaphore(%run_scoped3A_19 : memref<!tpu.dma_semaphore, #tpu.memory_space<semaphore_mem>>)
      %dma_wait3A_28 = arith.constant 0 : i32
      %dma_wait3A_29 = arith.constant 0 : i32
      %dma_wait3A_30 = tpu.memref_slice %arg4[%add3A, %dma_wait3A_28, %dma_wait3A_29] : memref<32x125x80xi32, #tpu.memory_space<hbm>> -> memref<1x125x80xi32, #tpu.memory_space<hbm>>
      %dma_wait3A_31 = tpu.memref_squeeze %dma_wait3A_30 : memref<1x125x80xi32, #tpu.memory_space<hbm>> -> memref<125x80xi32, #tpu.memory_space<hbm>>
      %dma_wait3A_32 = arith.constant 0 : i32
      %dma_wait3A_33 = arith.constant 0 : i32
      %dma_wait3A_34 = tpu.memref_slice %arg4[%add3A, %dma_wait3A_32, %dma_wait3A_33] : memref<32x125x80xi32, #tpu.memory_space<hbm>> -> memref<1x125x80xi32, #tpu.memory_space<hbm>>
      %dma_wait3A_35 = tpu.memref_squeeze %dma_wait3A_34 : memref<1x125x80xi32, #tpu.memory_space<hbm>> -> memref<125x80xi32, #tpu.memory_space<hbm>>
      tpu.wait_dma2 semaphore(%run_scoped3A_19 : memref<!tpu.dma_semaphore, #tpu.memory_space<semaphore_mem>>) src(%dma_wait3A_35 : memref<125x80xi32, #tpu.memory_space<hbm>>) dst(%arg8 : memref<125x80xi32, #tpu.memory_space<vmem>>)
      tpu.yield
    }) : () -> ()
    %barrier3A = arith.constant 0 : index
    tpu.barrier barrier_id(%barrier3A)
    %dma_start3A = arith.constant 0 : i32
    %dma_start3A_5 = tpu.memref_slice %arg7[%dma_start3A] : memref<10000xi32, #tpu.memory_space<vmem>> -> memref<80xi32, #tpu.memory_space<vmem>>
    %dma_start3A_6 = arith.constant 0 : i32
    %dma_start3A_7 = arith.constant 0 : i32
    %dma_start3A_8 = tpu.memref_slice %arg2[%dma_start3A_6, %dma_start3A_7] : memref<10000x128xf32, #tpu.memory_space<hbm>> -> memref<10000x128xf32, #tpu.memory_space<hbm>>
    tpu.enqueue_indirect_dma source(%dma_start3A_8 : memref<10000x128xf32, #tpu.memory_space<hbm>>) target(%arg9 : memref<80x128xf32, #tpu.memory_space<vmem>>) offsets(%dma_start3A_5 : memref<80xi32, #tpu.memory_space<vmem>>) semaphore(%arg12 : memref<!tpu.dma_semaphore, #tpu.memory_space<semaphore_mem>>)
    %scan3A = arith.constant 0 : i32
    %scan3A_9 = arith.constant 0 : i32
    %scan3A_10 = arith.constant 62 : i32
    %scan3A_11 = arith.addi %scan3A_9, %scan3A_10 : i32
    %scan3A_12 = arith.constant 1 : i32
    scf.for %scan3A_19 = %scan3A_9 to %scan3A_11 step %scan3A_12  : i32 {
      %mul3A_20 = arith.constant 2 : i32
      %mul3A_21 = arith.muli %mul3A_20, %scan3A_19 : i32
      %add3A_22 = arith.constant 1 : i32
      %add3A_23 = arith.addi %mul3A_21, %add3A_22 : i32
      %mul3A_24 = arith.constant 80 : i32
      %mul3A_25 = arith.muli %add3A_23, %mul3A_24 : i32
      %dma_start3A_26 = tpu.memref_slice %arg7[%mul3A_25] : memref<10000xi32, #tpu.memory_space<vmem>> -> memref<80xi32, #tpu.memory_space<vmem>>
      %dma_start3A_27 = arith.constant 0 : i32
      %dma_start3A_28 = arith.constant 0 : i32
      %dma_start3A_29 = tpu.memref_slice %arg2[%dma_start3A_27, %dma_start3A_28] : memref<10000x128xf32, #tpu.memory_space<hbm>> -> memref<10000x128xf32, #tpu.memory_space<hbm>>
      tpu.enqueue_indirect_dma source(%dma_start3A_29 : memref<10000x128xf32, #tpu.memory_space<hbm>>) target(%arg10 : memref<80x128xf32, #tpu.memory_space<vmem>>) offsets(%dma_start3A_26 : memref<80xi32, #tpu.memory_space<vmem>>) semaphore(%arg13 : memref<!tpu.dma_semaphore, #tpu.memory_space<semaphore_mem>>)
      %mul3A_30 = arith.constant 80 : i32
      %mul3A_31 = arith.muli %mul3A_21, %mul3A_30 : i32
      %dma_wait3A_32 = tpu.memref_slice %arg7[%mul3A_31] : memref<10000xi32, #tpu.memory_space<vmem>> -> memref<80xi32, #tpu.memory_space<vmem>>
      %dma_wait3A_33 = arith.constant 0 : i32
      %dma_wait3A_34 = arith.constant 0 : i32
      %dma_wait3A_35 = tpu.memref_slice %arg2[%dma_wait3A_33, %dma_wait3A_34] : memref<10000x128xf32, #tpu.memory_space<hbm>> -> memref<10000x128xf32, #tpu.memory_space<hbm>>
      tpu.wait_indirect_dma semaphore(%arg12 : memref<!tpu.dma_semaphore, #tpu.memory_space<semaphore_mem>>) src(%dma_wait3A_35 : memref<10000x128xf32, #tpu.memory_space<hbm>>) dst(%arg9 : memref<80x128xf32, #tpu.memory_space<vmem>>)
      "tpu.region"() ({
        %run_scoped3A_50 = tpu.sem_alloc : memref<!tpu.dma_semaphore, #tpu.memory_space<semaphore_mem>>
        %dma_start3A_51 = arith.constant 0 : i32
        %dma_start3A_52 = tpu.memref_slice %arg8[%mul3A_21, %dma_start3A_51] : memref<125x80xi32, #tpu.memory_space<vmem>> -> memref<1x80xi32, #tpu.memory_space<vmem>>
        %dma_start3A_53 = tpu.memref_squeeze %dma_start3A_52 : memref<1x80xi32, #tpu.memory_space<vmem>> -> memref<80xi32, #tpu.memory_space<vmem>>
        %dma_start3A_54 = arith.constant 0 : i32
        %dma_start3A_55 = arith.constant 0 : i32
        %dma_start3A_56 = tpu.memref_slice %arg11[%dma_start3A_54, %dma_start3A_55] : memref<10000x128xf32, #tpu.memory_space<vmem_shared>> -> memref<10000x128xf32, #tpu.memory_space<vmem_shared>>
        tpu.enqueue_indirect_dma source(%arg9 : memref<80x128xf32, #tpu.memory_space<vmem>>) target(%dma_start3A_56 : memref<10000x128xf32, #tpu.memory_space<vmem_shared>>) offsets(%dma_start3A_53 : memref<80xi32, #tpu.memory_space<vmem>>) semaphore(%run_scoped3A_50 : memref<!tpu.dma_semaphore, #tpu.memory_space<semaphore_mem>>) {add = true}
        %dma_wait3A_57 = arith.constant 0 : i32
        %dma_wait3A_58 = tpu.memref_slice %arg8[%mul3A_21, %dma_wait3A_57] : memref<125x80xi32, #tpu.memory_space<vmem>> -> memref<1x80xi32, #tpu.memory_space<vmem>>
        %dma_wait3A_59 = tpu.memref_squeeze %dma_wait3A_58 : memref<1x80xi32, #tpu.memory_space<vmem>> -> memref<80xi32, #tpu.memory_space<vmem>>
        %dma_wait3A_60 = arith.constant 0 : i32
        %dma_wait3A_61 = arith.constant 0 : i32
        %dma_wait3A_62 = tpu.memref_slice %arg11[%dma_wait3A_60, %dma_wait3A_61] : memref<10000x128xf32, #tpu.memory_space<vmem_shared>> -> memref<10000x128xf32, #tpu.memory_space<vmem_shared>>
        tpu.wait_indirect_dma semaphore(%run_scoped3A_50 : memref<!tpu.dma_semaphore, #tpu.memory_space<semaphore_mem>>) src(%arg9 : memref<80x128xf32, #tpu.memory_space<vmem>>) dst(%dma_wait3A_62 : memref<10000x128xf32, #tpu.memory_space<vmem_shared>>)
        tpu.yield
      }) : () -> ()
      %add3A_36 = arith.constant 2 : i32
      %add3A_37 = arith.addi %mul3A_21, %add3A_36 : i32
      %mul3A_38 = arith.constant 80 : i32
      %mul3A_39 = arith.muli %add3A_37, %mul3A_38 : i32
      %dma_start3A_40 = tpu.memref_slice %arg7[%mul3A_39] : memref<10000xi32, #tpu.memory_space<vmem>> -> memref<80xi32, #tpu.memory_space<vmem>>
      %dma_start3A_41 = arith.constant 0 : i32
      %dma_start3A_42 = arith.constant 0 : i32
      %dma_start3A_43 = tpu.memref_slice %arg2[%dma_start3A_41, %dma_start3A_42] : memref<10000x128xf32, #tpu.memory_space<hbm>> -> memref<10000x128xf32, #tpu.memory_space<hbm>>
      tpu.enqueue_indirect_dma source(%dma_start3A_43 : memref<10000x128xf32, #tpu.memory_space<hbm>>) target(%arg9 : memref<80x128xf32, #tpu.memory_space<vmem>>) offsets(%dma_start3A_40 : memref<80xi32, #tpu.memory_space<vmem>>) semaphore(%arg12 : memref<!tpu.dma_semaphore, #tpu.memory_space<semaphore_mem>>)
      %mul3A_44 = arith.constant 80 : i32
      %mul3A_45 = arith.muli %add3A_23, %mul3A_44 : i32
      %dma_wait3A_46 = tpu.memref_slice %arg7[%mul3A_45] : memref<10000xi32, #tpu.memory_space<vmem>> -> memref<80xi32, #tpu.memory_space<vmem>>
      %dma_wait3A_47 = arith.constant 0 : i32
      %dma_wait3A_48 = arith.constant 0 : i32
      %dma_wait3A_49 = tpu.memref_slice %arg2[%dma_wait3A_47, %dma_wait3A_48] : memref<10000x128xf32, #tpu.memory_space<hbm>> -> memref<10000x128xf32, #tpu.memory_space<hbm>>
      tpu.wait_indirect_dma semaphore(%arg13 : memref<!tpu.dma_semaphore, #tpu.memory_space<semaphore_mem>>) src(%dma_wait3A_49 : memref<10000x128xf32, #tpu.memory_space<hbm>>) dst(%arg10 : memref<80x128xf32, #tpu.memory_space<vmem>>)
      "tpu.region"() ({
        %run_scoped3A_50 = tpu.sem_alloc : memref<!tpu.dma_semaphore, #tpu.memory_space<semaphore_mem>>
        %dma_start3A_51 = arith.constant 0 : i32
        %dma_start3A_52 = tpu.memref_slice %arg8[%add3A_23, %dma_start3A_51] : memref<125x80xi32, #tpu.memory_space<vmem>> -> memref<1x80xi32, #tpu.memory_space<vmem>>
        %dma_start3A_53 = tpu.memref_squeeze %dma_start3A_52 : memref<1x80xi32, #tpu.memory_space<vmem>> -> memref<80xi32, #tpu.memory_space<vmem>>
        %dma_start3A_54 = arith.constant 0 : i32
        %dma_start3A_55 = arith.constant 0 : i32
        %dma_start3A_56 = tpu.memref_slice %arg11[%dma_start3A_54, %dma_start3A_55] : memref<10000x128xf32, #tpu.memory_space<vmem_shared>> -> memref<10000x128xf32, #tpu.memory_space<vmem_shared>>
        tpu.enqueue_indirect_dma source(%arg10 : memref<80x128xf32, #tpu.memory_space<vmem>>) target(%dma_start3A_56 : memref<10000x128xf32, #tpu.memory_space<vmem_shared>>) offsets(%dma_start3A_53 : memref<80xi32, #tpu.memory_space<vmem>>) semaphore(%run_scoped3A_50 : memref<!tpu.dma_semaphore, #tpu.memory_space<semaphore_mem>>) {add = true}
        %dma_wait3A_57 = arith.constant 0 : i32
        %dma_wait3A_58 = tpu.memref_slice %arg8[%add3A_23, %dma_wait3A_57] : memref<125x80xi32, #tpu.memory_space<vmem>> -> memref<1x80xi32, #tpu.memory_space<vmem>>
        %dma_wait3A_59 = tpu.memref_squeeze %dma_wait3A_58 : memref<1x80xi32, #tpu.memory_space<vmem>> -> memref<80xi32, #tpu.memory_space<vmem>>
        %dma_wait3A_60 = arith.constant 0 : i32
        %dma_wait3A_61 = arith.constant 0 : i32
        %dma_wait3A_62 = tpu.memref_slice %arg11[%dma_wait3A_60, %dma_wait3A_61] : memref<10000x128xf32, #tpu.memory_space<vmem_shared>> -> memref<10000x128xf32, #tpu.memory_space<vmem_shared>>
        tpu.wait_indirect_dma semaphore(%run_scoped3A_50 : memref<!tpu.dma_semaphore, #tpu.memory_space<semaphore_mem>>) src(%arg10 : memref<80x128xf32, #tpu.memory_space<vmem>>) dst(%dma_wait3A_62 : memref<10000x128xf32, #tpu.memory_space<vmem_shared>>)
        tpu.yield
      }) : () -> ()
    }
    %scan3A_13 = arith.constant 62 : i32
    %dma_wait3A = arith.constant 9920 : i32
    %dma_wait3A_14 = tpu.memref_slice %arg7[%dma_wait3A] : memref<10000xi32, #tpu.memory_space<vmem>> -> memref<80xi32, #tpu.memory_space<vmem>>
    %dma_wait3A_15 = arith.constant 0 : i32
    %dma_wait3A_16 = arith.constant 0 : i32
    %dma_wait3A_17 = tpu.memref_slice %arg2[%dma_wait3A_15, %dma_wait3A_16] : memref<10000x128xf32, #tpu.memory_space<hbm>> -> memref<10000x128xf32, #tpu.memory_space<hbm>>
    tpu.wait_indirect_dma semaphore(%arg12 : memref<!tpu.dma_semaphore, #tpu.memory_space<semaphore_mem>>) src(%dma_wait3A_17 : memref<10000x128xf32, #tpu.memory_space<hbm>>) dst(%arg9 : memref<80x128xf32, #tpu.memory_space<vmem>>)
    %run_scoped3A = arith.constant 124 : i32
    "tpu.region"() ({
      %run_scoped3A_19 = tpu.sem_alloc : memref<!tpu.dma_semaphore, #tpu.memory_space<semaphore_mem>>
      %dma_start3A_20 = arith.constant 0 : i32
      %dma_start3A_21 = tpu.memref_slice %arg8[%run_scoped3A, %dma_start3A_20] : memref<125x80xi32, #tpu.memory_space<vmem>> -> memref<1x80xi32, #tpu.memory_space<vmem>>
      %dma_start3A_22 = tpu.memref_squeeze %dma_start3A_21 : memref<1x80xi32, #tpu.memory_space<vmem>> -> memref<80xi32, #tpu.memory_space<vmem>>
      %dma_start3A_23 = arith.constant 0 : i32
      %dma_start3A_24 = arith.constant 0 : i32
      %dma_start3A_25 = tpu.memref_slice %arg11[%dma_start3A_23, %dma_start3A_24] : memref<10000x128xf32, #tpu.memory_space<vmem_shared>> -> memref<10000x128xf32, #tpu.memory_space<vmem_shared>>
      tpu.enqueue_indirect_dma source(%arg9 : memref<80x128xf32, #tpu.memory_space<vmem>>) target(%dma_start3A_25 : memref<10000x128xf32, #tpu.memory_space<vmem_shared>>) offsets(%dma_start3A_22 : memref<80xi32, #tpu.memory_space<vmem>>) semaphore(%run_scoped3A_19 : memref<!tpu.dma_semaphore, #tpu.memory_space<semaphore_mem>>) {add = true}
      %dma_wait3A_26 = arith.constant 0 : i32
      %dma_wait3A_27 = tpu.memref_slice %arg8[%run_scoped3A, %dma_wait3A_26] : memref<125x80xi32, #tpu.memory_space<vmem>> -> memref<1x80xi32, #tpu.memory_space<vmem>>
      %dma_wait3A_28 = tpu.memref_squeeze %dma_wait3A_27 : memref<1x80xi32, #tpu.memory_space<vmem>> -> memref<80xi32, #tpu.memory_space<vmem>>
      %dma_wait3A_29 = arith.constant 0 : i32
      %dma_wait3A_30 = arith.constant 0 : i32
      %dma_wait3A_31 = tpu.memref_slice %arg11[%dma_wait3A_29, %dma_wait3A_30] : memref<10000x128xf32, #tpu.memory_space<vmem_shared>> -> memref<10000x128xf32, #tpu.memory_space<vmem_shared>>
      tpu.wait_indirect_dma semaphore(%run_scoped3A_19 : memref<!tpu.dma_semaphore, #tpu.memory_space<semaphore_mem>>) src(%arg9 : memref<80x128xf32, #tpu.memory_space<vmem>>) dst(%dma_wait3A_31 : memref<10000x128xf32, #tpu.memory_space<vmem_shared>>)
      tpu.yield
    }) : () -> ()
    %barrier3A_18 = arith.constant 0 : index
    tpu.barrier barrier_id(%barrier3A_18)
    "tpu.region"() ({
      %run_scoped3A_19 = tpu.sem_alloc : memref<!tpu.dma_semaphore, #tpu.memory_space<semaphore_mem>>
      %dma_start3A_20 = arith.constant 0 : i32
      %dma_start3A_21 = arith.constant 0 : i32
      %dma_start3A_22 = tpu.memref_slice %arg6[%arg0, %arg1, %dma_start3A_20, %dma_start3A_21] : memref<2x16x625x128xf32, #tpu.memory_space<hbm>> -> memref<1x1x625x128xf32, #tpu.memory_space<hbm>>
      %dma_start3A_23 = tpu.memref_squeeze %dma_start3A_22 : memref<1x1x625x128xf32, #tpu.memory_space<hbm>> -> memref<625x128xf32, #tpu.memory_space<hbm>>
      %dma_start3A_24 = arith.constant 0 : i32
      %dma_start3A_25 = tpu.memref_slice %arg11[%mul3A_2, %dma_start3A_24] : memref<10000x128xf32, #tpu.memory_space<vmem_shared>> -> memref<625x128xf32, #tpu.memory_space<vmem_shared>>
      tpu.enqueue_dma source(%dma_start3A_25 : memref<625x128xf32, #tpu.memory_space<vmem_shared>>) target(%dma_start3A_23 : memref<625x128xf32, #tpu.memory_space<hbm>>) target_semaphore(%run_scoped3A_19 : memref<!tpu.dma_semaphore, #tpu.memory_space<semaphore_mem>>)
      %dma_wait3A_26 = arith.constant 0 : i32
      %dma_wait3A_27 = arith.constant 0 : i32
      %dma_wait3A_28 = tpu.memref_slice %arg6[%arg0, %arg1, %dma_wait3A_26, %dma_wait3A_27] : memref<2x16x625x128xf32, #tpu.memory_space<hbm>> -> memref<1x1x625x128xf32, #tpu.memory_space<hbm>>
      %dma_wait3A_29 = tpu.memref_squeeze %dma_wait3A_28 : memref<1x1x625x128xf32, #tpu.memory_space<hbm>> -> memref<625x128xf32, #tpu.memory_space<hbm>>
      %dma_wait3A_30 = arith.constant 0 : i32
      %dma_wait3A_31 = tpu.memref_slice %arg11[%mul3A_2, %dma_wait3A_30] : memref<10000x128xf32, #tpu.memory_space<vmem_shared>> -> memref<625x128xf32, #tpu.memory_space<vmem_shared>>
      tpu.wait_dma2 semaphore(%run_scoped3A_19 : memref<!tpu.dma_semaphore, #tpu.memory_space<semaphore_mem>>) src(%dma_wait3A_31 : memref<625x128xf32, #tpu.memory_space<vmem_shared>>) dst(%dma_wait3A_29 : memref<625x128xf32, #tpu.memory_space<hbm>>)
      tpu.yield
    }) : () -> ()
    return
  }
}

module attributes {stable_mosaic.version = 14 : i64} {
  func.func @_scale_body(%arg0: i32, %arg1: memref<2x2000x1xf32, #tpu.memory_space<vmem>>, %arg2: memref<2x2000x1xf32, #tpu.memory_space<vmem>>, %arg3: memref<2000x128xf32, #tpu.memory_space<vmem>>, %arg4: memref<2000x128xf32, #tpu.memory_space<vmem>>, %arg5: memref<2000x1xf32, #tpu.memory_space<vmem>>, %arg6: memref<2000x1xf32, #tpu.memory_space<vmem>>) attributes {dimension_semantics = [#tpu.dimension_semantics<arbitrary>], iteration_bounds = array<i64: 5>, scalar_prefetch = 0 : i64, scratch_operands = 0 : i64, tpu.core_type = #tpu.core_type<tc>, window_params = [{transform_indices = @transform_0, window_bounds = array<i64: 2, 2000, 1>}, {transform_indices = @transform_1, window_bounds = array<i64: 2, 2000, 1>}, {transform_indices = @transform_2, window_bounds = array<i64: 2000, 128>}, {transform_indices = @transform_3, window_bounds = array<i64: 2000, 128>}, {transform_indices = @transform_4, window_bounds = array<i64: 2000, 1>}, {transform_indices = @transform_5, window_bounds = array<i64: 2000, 1>}]} {
    %get3A = arith.constant 0 : index
    %get3A_0 = arith.constant 0 : index
    %get3A_1 = arith.constant 0 : index
    %get3A_2 = vector.load %arg1[%get3A, %get3A_0, %get3A_1] : memref<2x2000x1xf32, #tpu.memory_space<vmem>>, vector<1x2000x1xf32>
    %get3A_3 = vector.shape_cast %get3A_2 : vector<1x2000x1xf32> to vector<2000x1xf32>
    %get3A_4 = arith.constant 1 : index
    %get3A_5 = arith.constant 0 : index
    %get3A_6 = arith.constant 0 : index
    %get3A_7 = vector.load %arg1[%get3A_4, %get3A_5, %get3A_6] : memref<2x2000x1xf32, #tpu.memory_space<vmem>>, vector<1x2000x1xf32>
    %get3A_8 = vector.shape_cast %get3A_7 : vector<1x2000x1xf32> to vector<2000x1xf32>
    %add3A = arith.addf %get3A_3, %get3A_8 : vector<2000x1xf32>
    %get3A_9 = arith.constant 0 : index
    %get3A_10 = arith.constant 0 : index
    %get3A_11 = arith.constant 0 : index
    %get3A_12 = vector.load %arg2[%get3A_9, %get3A_10, %get3A_11] : memref<2x2000x1xf32, #tpu.memory_space<vmem>>, vector<1x2000x1xf32>
    %get3A_13 = vector.shape_cast %get3A_12 : vector<1x2000x1xf32> to vector<2000x1xf32>
    %get3A_14 = arith.constant 1 : index
    %get3A_15 = arith.constant 0 : index
    %get3A_16 = arith.constant 0 : index
    %get3A_17 = vector.load %arg2[%get3A_14, %get3A_15, %get3A_16] : memref<2x2000x1xf32, #tpu.memory_space<vmem>>, vector<1x2000x1xf32>
    %get3A_18 = vector.shape_cast %get3A_17 : vector<1x2000x1xf32> to vector<2000x1xf32>
    %add3A_19 = arith.addf %get3A_13, %get3A_18 : vector<2000x1xf32>
    %max3A = arith.constant 1.000000e+00 : f32
    %max3A_20 = vector.broadcast %max3A : f32 to vector<2000x1xf32>
    %max3A_21 = arith.maximumf %add3A, %max3A_20 : vector<2000x1xf32>
    %rsqrt3A = math.rsqrt %max3A_21 : vector<2000x1xf32>
    %max3A_22 = arith.constant 1.000000e+00 : f32
    %max3A_23 = vector.broadcast %max3A_22 : f32 to vector<2000x1xf32>
    %max3A_24 = arith.maximumf %add3A_19, %max3A_23 : vector<2000x1xf32>
    %rsqrt3A_25 = math.rsqrt %max3A_24 : vector<2000x1xf32>
    %swap3A = arith.constant 0 : index
    %swap3A_26 = arith.constant 0 : index
    %swap3A_27 = vector.load %arg5[%swap3A, %swap3A_26] : memref<2000x1xf32, #tpu.memory_space<vmem>>, vector<2000x1xf32>
    tpu.vector_store %arg5[%swap3A, %swap3A_26], %rsqrt3A {strides = array<i32>} : memref<2000x1xf32, #tpu.memory_space<vmem>>, vector<2000x1xf32>,
    %swap3A_28 = arith.constant 0 : index
    %swap3A_29 = arith.constant 0 : index
    %swap3A_30 = vector.load %arg6[%swap3A_28, %swap3A_29] : memref<2000x1xf32, #tpu.memory_space<vmem>>, vector<2000x1xf32>
    tpu.vector_store %arg6[%swap3A_28, %swap3A_29], %rsqrt3A_25 {strides = array<i32>} : memref<2000x1xf32, #tpu.memory_space<vmem>>, vector<2000x1xf32>,
    %get3A_31 = arith.constant 0 : index
    %get3A_32 = arith.constant 0 : index
    %get3A_33 = vector.load %arg3[%get3A_31, %get3A_32] : memref<2000x128xf32, #tpu.memory_space<vmem>>, vector<2000x128xf32>
    %mul3A = vector.broadcast %rsqrt3A : vector<2000x1xf32> to vector<2000x128xf32>
    %mul3A_34 = arith.mulf %get3A_33, %mul3A : vector<2000x128xf32>
    %swap3A_35 = arith.constant 0 : index
    %swap3A_36 = arith.constant 0 : index
    %swap3A_37 = vector.load %arg4[%swap3A_35, %swap3A_36] : memref<2000x128xf32, #tpu.memory_space<vmem>>, vector<2000x128xf32>
    tpu.vector_store %arg4[%swap3A_35, %swap3A_36], %mul3A_34 {strides = array<i32>} : memref<2000x128xf32, #tpu.memory_space<vmem>>, vector<2000x128xf32>,
    return
  }
  func.func @transform_0(%arg0: i32) -> (i32, i32, i32) {
    %c0_i32 = arith.constant 0 : i32
    %c0_i32_0 = arith.constant 0 : i32
    %c0_i32_1 = arith.constant 0 : i32
    return %c0_i32, %arg0, %c0_i32_0 : i32, i32, i32
  }
  func.func @transform_1(%arg0: i32) -> (i32, i32, i32) {
    %c0_i32 = arith.constant 0 : i32
    %c0_i32_0 = arith.constant 0 : i32
    %c0_i32_1 = arith.constant 0 : i32
    return %c0_i32, %arg0, %c0_i32_0 : i32, i32, i32
  }
  func.func @transform_2(%arg0: i32) -> (i32, i32) {
    %c0_i32 = arith.constant 0 : i32
    %c0_i32_0 = arith.constant 0 : i32
    return %arg0, %c0_i32 : i32, i32
  }
  func.func @transform_3(%arg0: i32) -> (i32, i32) {
    %c0_i32 = arith.constant 0 : i32
    %c0_i32_0 = arith.constant 0 : i32
    return %arg0, %c0_i32 : i32, i32
  }
  func.func @transform_4(%arg0: i32) -> (i32, i32) {
    %c0_i32 = arith.constant 0 : i32
    %c0_i32_0 = arith.constant 0 : i32
    return %arg0, %c0_i32 : i32, i32
  }
  func.func @transform_5(%arg0: i32) -> (i32, i32) {
    %c0_i32 = arith.constant 0 : i32
    %c0_i32_0 = arith.constant 0 : i32
    return %arg0, %c0_i32 : i32, i32
  }
}

module attributes {stable_mosaic.version = 14 : i64} {
  func.func @_mm_body(%arg0: i32, %arg1: memref<2x2000x128xf32, #tpu.memory_space<vmem>>, %arg2: memref<2000x1xf32, #tpu.memory_space<vmem>>, %arg3: memref<2000x1xf32, #tpu.memory_space<vmem>>, %arg4: memref<128x128xf32, #tpu.memory_space<vmem>>, %arg5: memref<1x128xf32, #tpu.memory_space<vmem>>, %arg6: memref<2000x128xf32, #tpu.memory_space<vmem>>) attributes {dimension_semantics = [#tpu.dimension_semantics<arbitrary>], iteration_bounds = array<i64: 5>, scalar_prefetch = 0 : i64, scratch_operands = 0 : i64, tpu.core_type = #tpu.core_type<tc>, window_params = [{transform_indices = @transform_0, window_bounds = array<i64: 2, 2000, 128>}, {transform_indices = @transform_1, window_bounds = array<i64: 2000, 1>}, {transform_indices = @transform_2, window_bounds = array<i64: 2000, 1>}, {pipeline_mode = #tpu.pipeline_mode<synchronous>, transform_indices = @transform_3, window_bounds = array<i64: 128, 128>}, {pipeline_mode = #tpu.pipeline_mode<synchronous>, transform_indices = @transform_4, window_bounds = array<i64: 1, 128>}, {transform_indices = @transform_5, window_bounds = array<i64: 2000, 128>}]} {
    %get3A = arith.constant 0 : index
    %get3A_0 = arith.constant 0 : index
    %get3A_1 = arith.constant 0 : index
    %get3A_2 = vector.load %arg1[%get3A, %get3A_0, %get3A_1] : memref<2x2000x128xf32, #tpu.memory_space<vmem>>, vector<1x2000x128xf32>
    %get3A_3 = vector.shape_cast %get3A_2 : vector<1x2000x128xf32> to vector<2000x128xf32>
    %get3A_4 = arith.constant 1 : index
    %get3A_5 = arith.constant 0 : index
    %get3A_6 = arith.constant 0 : index
    %get3A_7 = vector.load %arg1[%get3A_4, %get3A_5, %get3A_6] : memref<2x2000x128xf32, #tpu.memory_space<vmem>>, vector<1x2000x128xf32>
    %get3A_8 = vector.shape_cast %get3A_7 : vector<1x2000x128xf32> to vector<2000x128xf32>
    %add3A = arith.addf %get3A_3, %get3A_8 : vector<2000x128xf32>
    %get3A_9 = arith.constant 0 : index
    %get3A_10 = arith.constant 0 : index
    %get3A_11 = vector.load %arg2[%get3A_9, %get3A_10] : memref<2000x1xf32, #tpu.memory_space<vmem>>, vector<2000x1xf32>
    %mul3A = vector.broadcast %get3A_11 : vector<2000x1xf32> to vector<2000x128xf32>
    %mul3A_12 = arith.mulf %add3A, %mul3A : vector<2000x128xf32>
    %get3A_13 = arith.constant 0 : index
    %get3A_14 = arith.constant 0 : index
    %get3A_15 = vector.load %arg4[%get3A_13, %get3A_14] : memref<128x128xf32, #tpu.memory_space<vmem>>, vector<128x128xf32>
    %dot_general3A = arith.constant dense<0.000000e+00> : vector<2000x128xf32>
    %dot_general3A_16 = tpu.matmul %mul3A_12, %get3A_15, %dot_general3A {dimension_numbers = #tpu.dot_dimension_numbers<[1], [0], [0], [1], [0, 0, 1, 1], [], []>, transpose_lhs_hint = false} : vector<2000x128xf32>, vector<128x128xf32>, vector<2000x128xf32> -> vector<2000x128xf32>
    %get3A_17 = arith.constant 0 : index
    %get3A_18 = arith.constant 0 : index
    %get3A_19 = vector.load %arg5[%get3A_17, %get3A_18] : memref<1x128xf32, #tpu.memory_space<vmem>>, vector<1x128xf32>
    %add3A_20 = vector.broadcast %get3A_19 : vector<1x128xf32> to vector<2000x128xf32>
    %add3A_21 = arith.addf %dot_general3A_16, %add3A_20 : vector<2000x128xf32>
    %max3A = arith.constant 0.000000e+00 : f32
    %max3A_22 = vector.broadcast %max3A : f32 to vector<2000x128xf32>
    %max3A_23 = arith.maximumf %add3A_21, %max3A_22 : vector<2000x128xf32>
    %get3A_24 = arith.constant 0 : index
    %get3A_25 = arith.constant 0 : index
    %get3A_26 = vector.load %arg3[%get3A_24, %get3A_25] : memref<2000x1xf32, #tpu.memory_space<vmem>>, vector<2000x1xf32>
    %mul3A_27 = vector.broadcast %get3A_26 : vector<2000x1xf32> to vector<2000x128xf32>
    %mul3A_28 = arith.mulf %max3A_23, %mul3A_27 : vector<2000x128xf32>
    %swap3A = arith.constant 0 : index
    %swap3A_29 = arith.constant 0 : index
    %swap3A_30 = vector.load %arg6[%swap3A, %swap3A_29] : memref<2000x128xf32, #tpu.memory_space<vmem>>, vector<2000x128xf32>
    tpu.vector_store %arg6[%swap3A, %swap3A_29], %mul3A_28 {strides = array<i32>} : memref<2000x128xf32, #tpu.memory_space<vmem>>, vector<2000x128xf32>,
    return
  }
  func.func @transform_0(%arg0: i32) -> (i32, i32, i32) {
    %c0_i32 = arith.constant 0 : i32
    %c0_i32_0 = arith.constant 0 : i32
    %c0_i32_1 = arith.constant 0 : i32
    return %c0_i32, %arg0, %c0_i32_0 : i32, i32, i32
  }
  func.func @transform_1(%arg0: i32) -> (i32, i32) {
    %c0_i32 = arith.constant 0 : i32
    %c0_i32_0 = arith.constant 0 : i32
    return %arg0, %c0_i32 : i32, i32
  }
  func.func @transform_2(%arg0: i32) -> (i32, i32) {
    %c0_i32 = arith.constant 0 : i32
    %c0_i32_0 = arith.constant 0 : i32
    return %arg0, %c0_i32 : i32, i32
  }
  func.func @transform_3(%arg0: i32) -> (i32, i32) {
    %c0_i32 = arith.constant 0 : i32
    %c0_i32_0 = arith.constant 0 : i32
    %c0_i32_1 = arith.constant 0 : i32
    return %c0_i32, %c0_i32_0 : i32, i32
  }
  func.func @transform_4(%arg0: i32) -> (i32, i32) {
    %c0_i32 = arith.constant 0 : i32
    %c0_i32_0 = arith.constant 0 : i32
    %c0_i32_1 = arith.constant 0 : i32
    return %c0_i32, %c0_i32_0 : i32, i32
  }
  func.func @transform_5(%arg0: i32) -> (i32, i32) {
    %c0_i32 = arith.constant 0 : i32
    %c0_i32_0 = arith.constant 0 : i32
    return %arg0, %c0_i32 : i32, i32
  }
}

module attributes {stable_mosaic.version = 14 : i64} {
  func.func @_mm_body(%arg0: i32, %arg1: memref<2x2000x128xf32, #tpu.memory_space<vmem>>, %arg2: memref<2000x1xf32, #tpu.memory_space<vmem>>, %arg3: memref<2000x1xf32, #tpu.memory_space<vmem>>, %arg4: memref<128x128xf32, #tpu.memory_space<vmem>>, %arg5: memref<1x128xf32, #tpu.memory_space<vmem>>, %arg6: memref<2000x128xf32, #tpu.memory_space<vmem>>) attributes {dimension_semantics = [#tpu.dimension_semantics<arbitrary>], iteration_bounds = array<i64: 5>, scalar_prefetch = 0 : i64, scratch_operands = 0 : i64, tpu.core_type = #tpu.core_type<tc>, window_params = [{transform_indices = @transform_0, window_bounds = array<i64: 2, 2000, 128>}, {transform_indices = @transform_1, window_bounds = array<i64: 2000, 1>}, {transform_indices = @transform_2, window_bounds = array<i64: 2000, 1>}, {pipeline_mode = #tpu.pipeline_mode<synchronous>, transform_indices = @transform_3, window_bounds = array<i64: 128, 128>}, {pipeline_mode = #tpu.pipeline_mode<synchronous>, transform_indices = @transform_4, window_bounds = array<i64: 1, 128>}, {transform_indices = @transform_5, window_bounds = array<i64: 2000, 128>}]} {
    %get3A = arith.constant 0 : index
    %get3A_0 = arith.constant 0 : index
    %get3A_1 = arith.constant 0 : index
    %get3A_2 = vector.load %arg1[%get3A, %get3A_0, %get3A_1] : memref<2x2000x128xf32, #tpu.memory_space<vmem>>, vector<1x2000x128xf32>
    %get3A_3 = vector.shape_cast %get3A_2 : vector<1x2000x128xf32> to vector<2000x128xf32>
    %get3A_4 = arith.constant 1 : index
    %get3A_5 = arith.constant 0 : index
    %get3A_6 = arith.constant 0 : index
    %get3A_7 = vector.load %arg1[%get3A_4, %get3A_5, %get3A_6] : memref<2x2000x128xf32, #tpu.memory_space<vmem>>, vector<1x2000x128xf32>
    %get3A_8 = vector.shape_cast %get3A_7 : vector<1x2000x128xf32> to vector<2000x128xf32>
    %add3A = arith.addf %get3A_3, %get3A_8 : vector<2000x128xf32>
    %get3A_9 = arith.constant 0 : index
    %get3A_10 = arith.constant 0 : index
    %get3A_11 = vector.load %arg2[%get3A_9, %get3A_10] : memref<2000x1xf32, #tpu.memory_space<vmem>>, vector<2000x1xf32>
    %mul3A = vector.broadcast %get3A_11 : vector<2000x1xf32> to vector<2000x128xf32>
    %mul3A_12 = arith.mulf %add3A, %mul3A : vector<2000x128xf32>
    %get3A_13 = arith.constant 0 : index
    %get3A_14 = arith.constant 0 : index
    %get3A_15 = vector.load %arg4[%get3A_13, %get3A_14] : memref<128x128xf32, #tpu.memory_space<vmem>>, vector<128x128xf32>
    %dot_general3A = arith.constant dense<0.000000e+00> : vector<2000x128xf32>
    %dot_general3A_16 = tpu.matmul %mul3A_12, %get3A_15, %dot_general3A {dimension_numbers = #tpu.dot_dimension_numbers<[1], [0], [0], [1], [0, 0, 1, 1], [], []>, transpose_lhs_hint = false} : vector<2000x128xf32>, vector<128x128xf32>, vector<2000x128xf32> -> vector<2000x128xf32>
    %get3A_17 = arith.constant 0 : index
    %get3A_18 = arith.constant 0 : index
    %get3A_19 = vector.load %arg5[%get3A_17, %get3A_18] : memref<1x128xf32, #tpu.memory_space<vmem>>, vector<1x128xf32>
    %add3A_20 = vector.broadcast %get3A_19 : vector<1x128xf32> to vector<2000x128xf32>
    %add3A_21 = arith.addf %dot_general3A_16, %add3A_20 : vector<2000x128xf32>
    %max3A = arith.constant 0.000000e+00 : f32
    %max3A_22 = vector.broadcast %max3A : f32 to vector<2000x128xf32>
    %max3A_23 = arith.maximumf %add3A_21, %max3A_22 : vector<2000x128xf32>
    %swap3A = arith.constant 0 : index
    %swap3A_24 = arith.constant 0 : index
    %swap3A_25 = vector.load %arg6[%swap3A, %swap3A_24] : memref<2000x128xf32, #tpu.memory_space<vmem>>, vector<2000x128xf32>
    tpu.vector_store %arg6[%swap3A, %swap3A_24], %max3A_23 {strides = array<i32>} : memref<2000x128xf32, #tpu.memory_space<vmem>>, vector<2000x128xf32>,
    return
  }
  func.func @transform_0(%arg0: i32) -> (i32, i32, i32) {
    %c0_i32 = arith.constant 0 : i32
    %c0_i32_0 = arith.constant 0 : i32
    %c0_i32_1 = arith.constant 0 : i32
    return %c0_i32, %arg0, %c0_i32_0 : i32, i32, i32
  }
  func.func @transform_1(%arg0: i32) -> (i32, i32) {
    %c0_i32 = arith.constant 0 : i32
    %c0_i32_0 = arith.constant 0 : i32
    return %arg0, %c0_i32 : i32, i32
  }
  func.func @transform_2(%arg0: i32) -> (i32, i32) {
    %c0_i32 = arith.constant 0 : i32
    %c0_i32_0 = arith.constant 0 : i32
    return %arg0, %c0_i32 : i32, i32
  }
  func.func @transform_3(%arg0: i32) -> (i32, i32) {
    %c0_i32 = arith.constant 0 : i32
    %c0_i32_0 = arith.constant 0 : i32
    %c0_i32_1 = arith.constant 0 : i32
    return %c0_i32, %c0_i32_0 : i32, i32
  }
  func.func @transform_4(%arg0: i32) -> (i32, i32) {
    %c0_i32 = arith.constant 0 : i32
    %c0_i32_0 = arith.constant 0 : i32
    %c0_i32_1 = arith.constant 0 : i32
    return %c0_i32, %c0_i32_0 : i32, i32
  }
  func.func @transform_5(%arg0: i32) -> (i32, i32) {
    %c0_i32 = arith.constant 0 : i32
    %c0_i32_0 = arith.constant 0 : i32
    return %arg0, %c0_i32 : i32, i32
  }
}

</mosaic_0001>

<sc_bundles>
// kernel: kernel.10.cloned.1.call-start
scs
__scs_entry_jumppad:
0x0: {  	(pc) =	sbr.rel $0x88, $3  }
0x1: {  	(tag) =	ssettag $0x0;
	lr =	simm.s32 $0x1  }
0x2: {  	[smem:$0x3F99] =	sst lr;
	_ =	strace $0xD0000000  }
0x3: {  	_ = 	snop  }
0x4: {  	_ = 	snop  }
0x5: {  	_ = 	snop  }
0x6: {  	_ = 	snop  }
0x7: {  	_ = 	snop  }
__scs_overlays_trampoline_lowered:
0x8: {  	[smem:$0x3FA8] =	sst s0  }
0x9: {  	[smem:$0x3FA9] =	sst s1  }
0xa: {  	[smem:$0x3FAA] =	sst s2  }
0xb: {  	[smem:$0x3FAB] =	sst s3  }
0xc: {  	[smem:$0x3FAC] =	sst s4  }
0xd: {  	[smem:$0x3FAD] =	sst s5  }
0xe: {  	[smem:$0x3FAE] =	sst s6  }
0xf: {  	[smem:$0x3FAF] =	sst s7  }
0x10: {  	[smem:$0x3FB0] =	sst s8  }
0x11: {  	[smem:$0x3FB1] =	sst s9;
	s0 =	simm.s32 @!p0 $0x0  }
0x12: {  	s1 =	sld [smem:$0x3F97];
	s0 =	simm.s32 @p0 $0x1  }
0x13: {  	[smem:$0x3FB2] =	sst s0;
	s0 =	simm.s32 @!p1 $0x0  }
0x14: {  	s2 =	sld [smem:$0x3F96];
	s0 =	simm.s32 @p1 $0x1  }
0x15: {  	[smem:$0x3FB3] =	sst s0;
	s0 =	simm.s32 @!p2 $0x0  }
0x16: {  	s3 =	sld [smem:$0x3FDB];
	s0 =	simm.s32 @p2 $0x1  }
0x17: {  	s4 =	simm.s32 $0x1BF5;
	[smem:$0x3FB5] =	sst s0  }
0x18: {  	s0 =	sld [smem:$0x3F98];
	_ =	swait.ge [sflag:s4], $0x0  }
0x19: {  	s7 =	sld [smem:$0x3F99]  }
0x1a: {  	s8 =	sadd.s32 $0xFFFFE003, lr  }
0x1b: {  	s9 =	sadd.s32 $0xFFFFFEF7, lr;
	s5 =	simm.s32 $0xFFFFFFFF;
	p2 =	slt.u32 s8, $0xFFFFF086  }
0x1c: {  	p1 =	slt.u32 s9, $0xF7A;
	s5 =	simm.s32 @!p2 $0x0  }
0x1d: {  	s5 =	simm.s32 @p1 $0x1;
	p0 =	seq.s32 s7, s2  }
0x1e: {  	s7 =	smul.u32 @!p0 $0xF7A, s2;
	p2 =	seq.s32 @!p0 s5, $0x0  }
0x1f: {  	s9 =	smul.u32 $0xF7A, s1;
	s8 =	simm.s32 @!p0 $0x1BF5;
	p2 =	por !p2, p0  }
0x20: {  	[sflag:s8] =	ssyncset.s32 @!p0 $0xFFFFF086;
	s6 =	sadd.s32 @!p0 s3, s7;
	s7 =	simm.s32 @!p0 $0x108  }
0x21: {  	s3 =	sadd.s32 s3, s9;
	s6 =	sadd.s32 @!p0 $0x88, s6;
	s7 =	simm.s32 @p2 $0x1082  }
0x22: {  	[simem:s7], [sflag:s8] =	dma.local @!p0 [hbm:s6], $0xF7A  }
0x23: {  	s9 =	sor.u32 $0xD0000000, s2;
	s6 =	simm.s32 $0x108;
	_ =	swait.ge @!p0 [sflag:s8], $0x0  }
0x24: {  	s3 =	sadd.s32 $0x88, s3;
	s6 =	simm.s32 @!p1 $0x1082;
	[sflag:s4] =	ssyncset.s32 $0xFFFFF086  }
0x25: {  	[simem:s6], [sflag:s4] =	dma.local [hbm:s3], $0xF7A  }
0x26: {  	[smem:$0x3F99] =	sst s1;
	(tag) =	ssettag s2;
	_ =	strace s9  }
0x27: {  	s1 =	sld [smem:$0x3FA9]  }
0x28: {  	s2 =	sld [smem:$0x3FAA]  }
0x29: {  	s4 =	sld [smem:$0x3FAC]  }
0x2a: {  	p0 =	seq.s32 s5, $0x0;
	s5 =	sld [smem:$0x3FAD]  }
0x2b: {  	s6 =	sld [smem:$0x3FAE]  }
0x2c: {  	s7 =	sld [smem:$0x3FAF]  }
0x2d: {  	s3 =	simm.s32 $0x108;
	s8 =	sld [smem:$0x3FB0]  }
0x2e: {  	s3 =	simm.s32 @!p0 $0x1082;
	s9 =	sld [smem:$0x3FB1]  }
0x2f: {  	lr =	sadd.s32 s0, s3;
	s0 =	sld [smem:$0x3FA8]  }
0x30: {  	s3 =	sld [smem:$0x3FAB]  }
0x31: {  	[smem:$0x3FB4] =	sst s10  }
0x32: {  	s10 =	sld [smem:$0x3FB2];
	_ =	sdelay $0x3  }
0x33: {  	p0 =	seq.s32 s10, $0x1;
	s10 =	sld [smem:$0x3FB4];
	_ =	sdelay $0x3  }
0x34: {  	[smem:$0x3FB4] =	sst s10  }
0x35: {  	s10 =	sld [smem:$0x3FB3];
	_ =	sdelay $0x3  }
0x36: {  	p1 =	seq.s32 s10, $0x1;
	s10 =	sld [smem:$0x3FB4];
	_ =	sdelay $0x3  }
0x37: {  	[smem:$0x3FB4] =	sst s10  }
0x38: {  	s10 =	sld [smem:$0x3FB5]  }
0x39: {  	_ = 	snop;
	(pc) =	sbr.ind lr, $3  }
0x3a: {  	_ = 	snop  }
0x3b: {  	_ = 	snop  }
0x3c: {  	p2 =	seq.s32 s10, $0x1;
	s10 =	sld [smem:$0x3FB4]  }
0x3d: {  	_ =	shalt  }
0x3e: {  	_ =	shalt  }
0x3f: {  	_ =	shalt  }
0x40: {  	_ =	shalt  }
0x41: {  	_ =	shalt  }
0x42: {  	_ =	shalt  }
0x43: {  	_ =	shalt  }
0x44: {  	_ =	shalt  }
0x45: {  	_ =	shalt  }
0x46: {  	_ =	shalt  }
0x47: {  	_ =	shalt  }
0x48: {  	_ =	shalt  }
0x49: {  	_ =	shalt  }
0x4a: {  	_ =	shalt  }
0x4b: {  	_ =	shalt  }
0x4c: {  	_ =	shalt  }
0x4d: {  	_ =	shalt  }
0x4e: {  	_ =	shalt  }
0x4f: {  	_ =	shalt  }
0x50: {  	_ =	shalt  }
0x51: {  	_ =	shalt  }
0x52: {  	_ =	shalt  }
0x53: {  	_ =	shalt  }
0x54: {  	_ =	shalt  }
0x55: {  	_ =	shalt  }
0x56: {  	_ =	shalt  }
0x57: {  	_ =	shalt  }
0x58: {  	_ =	shalt  }
0x59: {  	_ =	shalt  }
0x5a: {  	_ =	shalt  }
0x5b: {  	_ =	shalt  }
0x5c: {  	_ =	shalt  }
0x5d: {  	_ =	shalt  }
0x5e: {  	_ =	shalt  }
0x5f: {  	_ =	shalt  }
0x60: {  	_ =	shalt  }
0x61: {  	_ =	shalt  }
0x62: {  	_ =	shalt  }
0x63: {  	_ =	shalt  }
0x64: {  	_ =	shalt  }
0x65: {  	_ =	shalt  }
0x66: {  	_ =	shalt  }
0x67: {  	_ =	shalt  }
0x68: {  	_ =	shalt  }
0x69: {  	_ =	shalt  }
0x6a: {  	_ =	shalt  }
0x6b: {  	_ =	shalt  }
0x6c: {  	_ =	shalt  }
0x6d: {  	_ =	shalt  }
0x6e: {  	_ =	shalt  }
0x6f: {  	_ =	shalt  }
0x70: {  	_ =	shalt  }
0x71: {  	_ =	shalt  }
0x72: {  	_ =	shalt  }
0x73: {  	_ =	shalt  }
0x74: {  	_ =	shalt  }
0x75: {  	_ =	shalt  }
0x76: {  	_ =	shalt  }
0x77: {  	_ =	shalt  }
0x78: {  	_ =	shalt  }
0x79: {  	_ =	shalt  }
0x7a: {  	_ =	shalt  }
0x7b: {  	_ =	shalt  }
0x7c: {  	_ =	shalt  }
0x7d: {  	_ =	shalt  }
0x7e: {  	_ =	shalt  }
0x7f: {  	_ =	shalt  }
0x80: {  	_ =	shalt  }
0x81: {  	_ =	shalt  }
0x82: {  	_ =	shalt  }
0x83: {  	_ =	shalt  }
0x84: {  	_ =	shalt  }
0x85: {  	_ =	shalt  }
0x86: {  	_ =	shalt  }
0x87: {  	_ =	shalt  }
.Lfunc_end0:
.L_simem_size_0:
called_computation_lowered:
.L_overlay_start_0:
0x88: {  	s2 =	sld [smem:$0x3FD9]  }
0x89: {  	s3 =	sld [smem:$0x3FFE];
	_ =	sdelay $0x1  }
0x8a: {  	s1 =	srdreg.scid  }
0x8b: {  	s0 =	sand.u32 $0x1, s1  }
0x8c: {  	s17 =	sshll.u32 s0, $0xA;
	s2 =	sadd.s32 s3, s2  }
0x8d: {  	s2 =	sadd.s32 s2, s17  }
0x8e: {  	[smem:$0x3FC0] =	sst s2  }
0x8f: {  	_ = 	snop  }
0x90: {  	s2 =	sld [smem:$0x3FD0];
	(tm) =	ssettm $0x1  }
0x91: {  	s18 =	sld [smem:$0x3FFB];
	_ =	sdelay $0x3  }
0x92: {  	_ =	strace s18  }
0x93: {  	s3 =	sld [smem:$0x3FFC];
	_ =	sdelay $0x3  }
0x94: {  	_ =	strace s3  }
0x95: {  	s3 =	sld [smem:$0x3FFD];
	_ =	sdelay $0x3  }
0x96: {  	_ =	strace s3  }
0x97: {  	_ =	strace $0x8FFFFFFF  }
0x98: {  	s19 =	sld [smem:$0x3FDB];
	_ =	sdelay $0x1  }
0x99: {  	s4 =	simm.s32 $_scs_section_size  }
0x9a: {  	s5 =	simm.s32 $_size__tile_overlayer_lowered;
	s6 =	simm.s32 $_tile_overlayer_lowered  }
0x9b: {  	s22 =	simm.s32 $0x1BFF;
	s21 =	sshll.u32 s6, $0x1;
	s3 =	sadd.s32 s4, s19  }
0x9c: {  	s7 =	simm.s32 $0x0;
	s20 =	sshll.u32 s5, $0x1;
	s5 =	sadd.s32 s21, s3  }
0x9d: {  	[timem:s7], [sflag:s22] =	dma.local [hbm:s5], s20  }
0x9e: {  	_ =	swait.ge [sflag:s22], s20  }
0x9f: {  	s4 =	ssub.s32 $0x0, s20;
	[sflag:s22] =	ssyncset.done $0x0  }
0xa0: {  	[sflag:s22] =	ssyncadd.s32 s4;
	_ =	sdelay $0x1  }
0xa1: {  	s23 =	simm.s32 $0x1B8B  }
0xa2: {  	_ =	swait.ge [sflag:s23], $0x1  }
0xa3: {  	[sflag:s23] =	ssyncset.done $0x0  }
0xa4: {  	s25 =	simm.s32 $0x1B8E;
	s24 =	sld [smem:$0x3FFE];
	[sflag:s23] =	ssyncadd.s32 $0xFFFFFFFF  }
0xa5: {  	s26 =	simm.s32 $execute0_lowered;
	[smem:$0x3FD2] =	sst s25  }
0xa6: {  	s5 =	sshll.u32 s26, $0x1;
	_ =	strace $0x80000046;
	[dreg:$0x1] =	wrdreg $0xFFFFFFFF  }
0xa7: {  	s28 =	simm.s32 $_size_execute0_lowered;
	s3 =	sadd.s32 s3, s5;
	[dreg:$0x0] =	wrdreg $0x0  }
0xa8: {  	s5 =	sshll.u32 s28, $0x1;
	[dreg:$0x2] =	wrdreg s3  }
0xa9: {  	[dreg:$0x3] =	wrdreg s5  }
0xaa: {  	[dreg:$0x4] =	wrdreg $0xC0  }
0xab: {  	_ =	task [dreg:s7], $0x5FFFF  }
0xac: {  	[dreg:$0x1] =	wrdreg $0xFFFFFFFF  }
0xad: {  	[dreg:$0x0] =	wrdreg $0x60  }
0xae: {  	[dreg:$0x2] =	wrdreg s2  }
0xaf: {  	[dreg:$0x3] =	wrdreg s24  }
0xb0: {  	[dreg:$0x4] =	wrdreg $0x80800  }
0xb1: {  	[dreg:$0x5] =	wrdreg $0x82F80  }
0xb2: {  	[dreg:$0x6] =	wrdreg $0x9  }
0xb3: {  	_ =	task.clear_ibuf [dreg:s7], $0x7FFFF;
	_ =	strace $0x90000046  }
0xb4: {  	s29 =	simm.s32 $0x9;
	_ =	strace $0x80000048  }
0xb5: {  	_ =	swait.ge [sflag:s29], $0x1  }
0xb6: {  	[sflag:s29] =	ssyncadd.s32 $0xFFFFFFFF  }
0xb7: {  	_ =	strace $0x90000048  }
0xb8: {  	_ =	sfence  }
0xb9: {  	s30 =	sld [smem:$0x0];
	_ =	sdelay $0x2  }
0xba: {  	s31 =	sshll.u32 s1, $0xD;
	s1 =	sshrl.u32 s1, $0x2  }
0xbb: {  	s3 =	sand.u32 $0x4000, s31;
	s1 =	sadd.s32 s1, s30  }
0xbc: {  	s0 =	sor.u32 s3, s0;
	s1 =	sshll.u32 s1, $0x11  }
0xbd: {  	s0 =	sor.u32 s1, s0  }
0xbe: {  	s0 =	sadd.s32 $0x8F2B, s0  }
0xbf: {  	[sflag:s0] =	ssyncadd.remote.s32 $0x1  }
0xc0: {  	_ =	sfence.sel $0xFFFF  }
0xc1: {  	[dreg:$0x0] =	wrdreg $0xFFFFFFFF;
	(pc) =	sbr.abs _section_cstart, $3  }
0xc2: {  	[dreg:$0x1] =	wrdreg $0xFFFFFFFF  }
0xc3: {  	_ =	task.clear_ibuf [dreg:s7], $0x2FFFF;
	_ =	strace $0x9FFFFFFF  }
0xc4: {  	(tm) =	ssettm $0x7FFFFFFF  }
0xc5: {  	_ =	shalt  }
tec
execute0_lowered:
.L_overlay_start_1:
0x0: {  	(tag) =	ssettag $0x1  }
0x1: {  	s5 =	rddreg [dreg:$0x0]  }
0x2: {  	s6 =	rddreg [dreg:$0x1]  }
0x3: {  	s1 =	rddreg [dreg:$0x2]  }
0x4: {  	s2 =	rddreg [dreg:$0x3];
	s3 =	srdreg.scid  }
0x5: {  	s0 =	rddreg [dreg:$0x4];
	s8 =	stileid.u32  }
0x6: {  	s14 =	simm.s32 $0x50;
	s15 =	simm.s32 $0x8000;
	s16 =	simm.s32 $0x0  }
0x7: {  	s7 =	sand.u32 $0x1, s3;
	s3 =	simm.s32 $0x0;
	s4 =	sshll.u32 s8, $0xC  }
0x8: {  	p0 =	sne.s32 s8, $0x0;
	s9 =	sshll.u32 s7, $0xB;
	[smem:$0x7FF] =	sst s3  }
0x9: {  	s11 =	ssub.s32 $0x2, s7;
	s7 =	sshll.u32 s7, $0x4;
	s9 =	sor.u32 s9, s4  }
0xa: {  	_ =	strace $0x80000047;
	s4 =	sadd.s32 $0x1CA00, s6;
	s12 =	sshrl.u32 s11, $0x1  }
0xb: {  	s13 =	sadd.s32 s7, s6;
	s10 =	sadd.s32 s9, s6;
	s11 =	ssub.s32 s11, s12  }
0xc: {  	s5 =	sadd.s32 s5, s9;
	s7 =	sadd.s32 $0x1D000, s13;
	s8 =	sadd.s32 $0x1DA00, s13  }
0xd: {  	s12 =	simm.s32 $0x1;
	s13 =	simm.s32 $0x4000;
	s6 =	sadd.s32 $0xCA00, s10  }
0xe: {  	v0 =	vimm.f32 $1.000000000e+00;
	s9 =	smax.u32 s11, $0x1;
	s10 =	sshrl.u32 @!p0 s1, $0x3;
	s11 =	sshrl.u32 @!p0 s2, $0x3  }
.LBB2_1:
0xf: {  	s17 =	simm.s32 @!p0 $0x1C01;
	s18 =	simm.s32 @!p0 $0x1  }
0x10: {  	[spmem:s10], [sflag:s17] =	dma.local @!p0 [hbm:s4], $0x4F0  }
0x11: {  	_ =	swait.ge @!p0 [sflag:s18], $0x4F0  }
0x12: {  	[sflag:s18] =	ssyncset.done @!p0 $0x0  }
0x13: {  	[sflag:s18] =	ssyncadd.s32 @!p0 $0xFFFFFB10  }
0x14: {  	[spmem:s11], [sflag:s17] =	dma.local @!p0 [hbm:s4], $0x4F0  }
0x15: {  	_ =	swait.ge @!p0 [sflag:s18], $0x4F0  }
0x16: {  	[sflag:s18] =	ssyncset.done @!p0 $0x0  }
0x17: {  	[sflag:s18] =	ssyncadd.s32 @!p0 $0xFFFFFB10  }
0x18: {  	[tilespmem:$0x8000] =	vst v0  }
0x19: {  	[tilespmem:$0x8010] =	vst v0  }
0x1a: {  	[tilespmem:$0x8020] =	vst v0  }
0x1b: {  	[tilespmem:$0x8030] =	vst v0  }
0x1c: {  	[tilespmem:$0x8040] =	vst v0  }
0x1d: {  	[tilespmem:s3], [sflag:$0x1] =	stream.linear.gather [hbm4b:s5+s3], $0x3E80, $0x38;
	[tilespmem:$0x8570] =	vst v63  }
0x1e: {  	_ =	swait.ge [sflag:s12], $0x3E80  }
0x1f: {  	[sflag:s12] =	ssyncset.done $0x0  }
0x20: {  	[sflag:s12] =	ssyncadd.s32 $0xFFFFC180  }
0x21: {  	[tilespmem:s13], [sflag:$0x1] =	stream.linear.gather [hbm4b:s6+s3], $0x3E80, $0x38;
	[tilespmem:$0x8570] =	vst v63  }
0x22: {  	_ =	swait.ge [sflag:s12], $0x3E80  }
0x23: {  	[sflag:s12] =	ssyncset.done $0x0  }
0x24: {  	[sflag:s12] =	ssyncadd.s32 $0xFFFFC180  }
0x25: {  	s30 =	simm.s32 $0x0;
	[bflag:$0x0] =	sbarrier.arrive $0xFFFF  }
0x26: {  	[spmem:s1] =	stream.indirect.scatter.add.f32 [tilespmem:s15], [sflag:$0x1], $0x1, s30, s14, $0xb8;
	[tilespmem:$0x8570] =	vst v63  }
0x27: {  	_ =	swait.ge [sflag:s12], $0x50  }
0x28: {  	[sflag:s12] =	ssyncset.done $0x0  }
0x29: {  	s31 =	simm.s32 $0x4000;
	[sflag:s12] =	ssyncadd.s32 $0xFFFFFFB0  }
0x2a: {  	[spmem:s2] =	stream.indirect.scatter.add.f32 [tilespmem:s15], [sflag:$0x1], $0x1, s31, s14, $0xb8;
	[tilespmem:$0x8570] =	vst v63  }
0x2b: {  	_ =	swait.ge [sflag:s12], $0x50  }
0x2c: {  	s17 =	simm.s32 $0x200;
	s18 =	simm.s32 $0x400;
	[sflag:s12] =	ssyncset.done $0x0  }
.LBB2_2:
0x2d: {  	s19 =	sshra.s32 s17, $0x2  }
0x2e: {  	[sflag:s12] =	ssyncadd.s32 $0xFFFFFFB0;
	s17 =	smov.u32 s18;
	s20 =	sadd.s32 $0x200, s18  }
0x2f: {  	[spmem:s1] =	stream.indirect.scatter.add.f32 [tilespmem:s15], [sflag:$0x1], $0x1, s19, s14, $0xb8;
	[tilespmem:$0x8570] =	vst v63  }
0x30: {  	p1 =	sne.s32 s18, $0xF800;
	_ =	swait.ge [sflag:s12], $0x50  }
.Ltmp0:
0x31: {  	[sflag:s12] =	ssyncset.done $0x0;
	(pc) =	sbr.rel @p1 .LBB2_2-.Ltmp0, $4  }
0x32: {  	s18 =	sadd.s32 $0x4000, s19;
	[sflag:s12] =	ssyncadd.s32 $0xFFFFFFB0  }
0x33: {  	[spmem:s2] =	stream.indirect.scatter.add.f32 [tilespmem:s15], [sflag:$0x1], $0x1, s18, s14, $0xb8;
	[tilespmem:$0x8570] =	vst v63  }
0x34: {  	_ =	swait.ge [sflag:s12], $0x50  }
0x35: {  	s18 =	smov.u32 s20;
	[sflag:s12] =	ssyncset.done $0x0  }
0x36: {  	s17 =	sshra.s32 s17, $0x2;
	[sflag:s12] =	ssyncadd.s32 $0xFFFFFFB0  }
0x37: {  	[spmem:s1] =	stream.indirect.scatter.add.f32 [tilespmem:s15], [sflag:$0x1], $0x1, s17, s14, $0xb8;
	[tilespmem:$0x8570] =	vst v63  }
0x38: {  	_ =	swait.ge [sflag:s12], $0x50  }
0x39: {  	[sflag:s12] =	ssyncset.done $0x0  }
0x3a: {  	s17 =	sadd.s32 $0x4000, s17;
	[sflag:s12] =	ssyncadd.s32 $0xFFFFFFB0  }
0x3b: {  	[spmem:s2] =	stream.indirect.scatter.add.f32 [tilespmem:s15], [sflag:$0x1], $0x1, s17, s14, $0xb8;
	[tilespmem:$0x8570] =	vst v63  }
0x3c: {  	_ =	swait.ge [sflag:s12], $0x50  }
0x3d: {  	[sflag:s12] =	ssyncset.done $0x0  }
0x3e: {  	s18 =	simm.s32 @!p0 $0x20;
	s19 =	simm.s32 @!p0 $0x10;
	[sflag:s12] =	ssyncadd.s32 $0xFFFFFFB0  }
0x3f: {  	s20 =	simm.s32 @!p0 $0x1C01;
	s17 =	simm.s32 @!p0 $0x1;
	[bflag:$0x0] =	sbarrier.arrive $0xFFFF  }
0x40: {  	[hbm:s7@s18], [sflag:s20] =	dma.strided @!p0 [spmem:s10@s19], $0x4F0, s17, $0x10   }
0x41: {  	s16 =	sadd.s32 $0x1, s16;
	_ =	swait.ge @!p0 [sflag:s17], $0x4F0  }
0x42: {  	p1 =	sne.s32 s16, s9;
	[sflag:s17] =	ssyncset.done @!p0 $0x0  }
.Ltmp1:
0x43: {  	[sflag:s17] =	ssyncadd.s32 @!p0 $0xFFFFFB10;
	(pc) =	sbr.rel @p1 .LBB2_1-.Ltmp1, $4  }
0x44: {  	[hbm:s8@s18], [sflag:s20] =	dma.strided @!p0 [spmem:s11@s19], $0x4F0, s17, $0x10   }
0x45: {  	_ =	swait.ge @!p0 [sflag:s17], $0x4F0  }
0x46: {  	[sflag:s17] =	ssyncset.done @!p0 $0x0  }
0x47: {  	[sflag:s17] =	ssyncadd.s32 @!p0 $0xFFFFFB10  }
0x48: {  	_ =	sfence.sel $0x180000  }
0x49: {  	[bflag:$0x0] =	sbarrier.arrive $0xFFFF  }
0x4a: {  	_ =	strace $0x90000047  }
0x4b: {  	s0 =	sadd.s32 @!p0 $0x100000, s0;
	[bflag:$0x2] =	sbarrier.arrive $0xFFFF  }
0x4c: {  	[sflag:s0] =	ssyncadd.tile.s32 @!p0 $0x1;
	_ =	shalt  }
.Lfunc_end2:
_tile_overlayer_lowered:
.L_overlay_start_2:
0x4d: {  	(tag) =	ssettag $0x2  }
0x4e: {  	s0 =	rddreg [dreg:$0x0];
	s2 =	stileid.u32  }
0x4f: {  	s1 =	rddreg [dreg:$0x1];
	p0 =	sne.s32 s2, $0x0  }
0x50: {  	s3 =	rddreg [dreg:$0x2];
	[bflag:$0x3] =	sbarrier.arrive $0xFFFF;
	s2 =	simm.s32 @!p0 $0x1C01  }
0x51: {  	[timem:s3], [sflag:s2] =	dma.local @!p0 [hbm:s0], s1  }
0x52: {  	s0 =	simm.s32 @!p0 $0x1  }
0x53: {  	_ =	swait.ge @!p0 [sflag:s0], s1  }
0x54: {  	s1 =	ssub.s32 @!p0 $0x0, s1;
	[sflag:s0] =	ssyncset.done @!p0 $0x0  }
0x55: {  	[sflag:s0] =	ssyncadd.s32 @!p0 s1  }
0x56: {  	[bflag:$0x3] =	sbarrier.arrive $0xFFFF  }
0x57: {  	_ =	shalt  }

// kernel: kernel.13.cloned.1.call-start
scs
__scs_entry_jumppad:
0x0: {  	(pc) =	sbr.rel $0x88, $3  }
0x1: {  	(tag) =	ssettag $0x0;
	lr =	simm.s32 $0x1  }
0x2: {  	[smem:$0x3F99] =	sst lr;
	_ =	strace $0xD0000000  }
0x3: {  	_ = 	snop  }
0x4: {  	_ = 	snop  }
0x5: {  	_ = 	snop  }
0x6: {  	_ = 	snop  }
0x7: {  	_ = 	snop  }
__scs_overlays_trampoline_lowered:
0x8: {  	[smem:$0x3FA8] =	sst s0  }
0x9: {  	[smem:$0x3FA9] =	sst s1  }
0xa: {  	[smem:$0x3FAA] =	sst s2  }
0xb: {  	[smem:$0x3FAB] =	sst s3  }
0xc: {  	[smem:$0x3FAC] =	sst s4  }
0xd: {  	[smem:$0x3FAD] =	sst s5  }
0xe: {  	[smem:$0x3FAE] =	sst s6  }
0xf: {  	[smem:$0x3FAF] =	sst s7  }
0x10: {  	[smem:$0x3FB0] =	sst s8  }
0x11: {  	[smem:$0x3FB1] =	sst s9;
	s0 =	simm.s32 @!p0 $0x0  }
0x12: {  	s1 =	sld [smem:$0x3F97];
	s0 =	simm.s32 @p0 $0x1  }
0x13: {  	[smem:$0x3FB2] =	sst s0;
	s0 =	simm.s32 @!p1 $0x0  }
0x14: {  	s2 =	sld [smem:$0x3F96];
	s0 =	simm.s32 @p1 $0x1  }
0x15: {  	[smem:$0x3FB3] =	sst s0;
	s0 =	simm.s32 @!p2 $0x0  }
0x16: {  	s3 =	sld [smem:$0x3FDB];
	s0 =	simm.s32 @p2 $0x1  }
0x17: {  	s4 =	simm.s32 $0x1BF5;
	[smem:$0x3FB5] =	sst s0  }
0x18: {  	s0 =	sld [smem:$0x3F98];
	_ =	swait.ge [sflag:s4], $0x0  }
0x19: {  	s7 =	sld [smem:$0x3F99]  }
0x1a: {  	s8 =	sadd.s32 $0xFFFFE003, lr  }
0x1b: {  	s9 =	sadd.s32 $0xFFFFFEF7, lr;
	s5 =	simm.s32 $0xFFFFFFFF;
	p2 =	slt.u32 s8, $0xFFFFF086  }
0x1c: {  	p1 =	slt.u32 s9, $0xF7A;
	s5 =	simm.s32 @!p2 $0x0  }
0x1d: {  	s5 =	simm.s32 @p1 $0x1;
	p0 =	seq.s32 s7, s2  }
0x1e: {  	s7 =	smul.u32 @!p0 $0xF7A, s2;
	p2 =	seq.s32 @!p0 s5, $0x0  }
0x1f: {  	s9 =	smul.u32 $0xF7A, s1;
	s8 =	simm.s32 @!p0 $0x1BF5;
	p2 =	por !p2, p0  }
0x20: {  	[sflag:s8] =	ssyncset.s32 @!p0 $0xFFFFF086;
	s6 =	sadd.s32 @!p0 s3, s7;
	s7 =	simm.s32 @!p0 $0x108  }
0x21: {  	s3 =	sadd.s32 s3, s9;
	s6 =	sadd.s32 @!p0 $0x88, s6;
	s7 =	simm.s32 @p2 $0x1082  }
0x22: {  	[simem:s7], [sflag:s8] =	dma.local @!p0 [hbm:s6], $0xF7A  }
0x23: {  	s9 =	sor.u32 $0xD0000000, s2;
	s6 =	simm.s32 $0x108;
	_ =	swait.ge @!p0 [sflag:s8], $0x0  }
0x24: {  	s3 =	sadd.s32 $0x88, s3;
	s6 =	simm.s32 @!p1 $0x1082;
	[sflag:s4] =	ssyncset.s32 $0xFFFFF086  }
0x25: {  	[simem:s6], [sflag:s4] =	dma.local [hbm:s3], $0xF7A  }
0x26: {  	[smem:$0x3F99] =	sst s1;
	(tag) =	ssettag s2;
	_ =	strace s9  }
0x27: {  	s1 =	sld [smem:$0x3FA9]  }
0x28: {  	s2 =	sld [smem:$0x3FAA]  }
0x29: {  	s4 =	sld [smem:$0x3FAC]  }
0x2a: {  	p0 =	seq.s32 s5, $0x0;
	s5 =	sld [smem:$0x3FAD]  }
0x2b: {  	s6 =	sld [smem:$0x3FAE]  }
0x2c: {  	s7 =	sld [smem:$0x3FAF]  }
0x2d: {  	s3 =	simm.s32 $0x108;
	s8 =	sld [smem:$0x3FB0]  }
0x2e: {  	s3 =	simm.s32 @!p0 $0x1082;
	s9 =	sld [smem:$0x3FB1]  }
0x2f: {  	lr =	sadd.s32 s0, s3;
	s0 =	sld [smem:$0x3FA8]  }
0x30: {  	s3 =	sld [smem:$0x3FAB]  }
0x31: {  	[smem:$0x3FB4] =	sst s10  }
0x32: {  	s10 =	sld [smem:$0x3FB2];
	_ =	sdelay $0x3  }
0x33: {  	p0 =	seq.s32 s10, $0x1;
	s10 =	sld [smem:$0x3FB4];
	_ =	sdelay $0x3  }
0x34: {  	[smem:$0x3FB4] =	sst s10  }
0x35: {  	s10 =	sld [smem:$0x3FB3];
	_ =	sdelay $0x3  }
0x36: {  	p1 =	seq.s32 s10, $0x1;
	s10 =	sld [smem:$0x3FB4];
	_ =	sdelay $0x3  }
0x37: {  	[smem:$0x3FB4] =	sst s10  }
0x38: {  	s10 =	sld [smem:$0x3FB5]  }
0x39: {  	_ = 	snop;
	(pc) =	sbr.ind lr, $3  }
0x3a: {  	_ = 	snop  }
0x3b: {  	_ = 	snop  }
0x3c: {  	p2 =	seq.s32 s10, $0x1;
	s10 =	sld [smem:$0x3FB4]  }
0x3d: {  	_ =	shalt  }
0x3e: {  	_ =	shalt  }
0x3f: {  	_ =	shalt  }
0x40: {  	_ =	shalt  }
0x41: {  	_ =	shalt  }
0x42: {  	_ =	shalt  }
0x43: {  	_ =	shalt  }
0x44: {  	_ =	shalt  }
0x45: {  	_ =	shalt  }
0x46: {  	_ =	shalt  }
0x47: {  	_ =	shalt  }
0x48: {  	_ =	shalt  }
0x49: {  	_ =	shalt  }
0x4a: {  	_ =	shalt  }
0x4b: {  	_ =	shalt  }
0x4c: {  	_ =	shalt  }
0x4d: {  	_ =	shalt  }
0x4e: {  	_ =	shalt  }
0x4f: {  	_ =	shalt  }
0x50: {  	_ =	shalt  }
0x51: {  	_ =	shalt  }
0x52: {  	_ =	shalt  }
0x53: {  	_ =	shalt  }
0x54: {  	_ =	shalt  }
0x55: {  	_ =	shalt  }
0x56: {  	_ =	shalt  }
0x57: {  	_ =	shalt  }
0x58: {  	_ =	shalt  }
0x59: {  	_ =	shalt  }
0x5a: {  	_ =	shalt  }
0x5b: {  	_ =	shalt  }
0x5c: {  	_ =	shalt  }
0x5d: {  	_ =	shalt  }
0x5e: {  	_ =	shalt  }
0x5f: {  	_ =	shalt  }
0x60: {  	_ =	shalt  }
0x61: {  	_ =	shalt  }
0x62: {  	_ =	shalt  }
0x63: {  	_ =	shalt  }
0x64: {  	_ =	shalt  }
0x65: {  	_ =	shalt  }
0x66: {  	_ =	shalt  }
0x67: {  	_ =	shalt  }
0x68: {  	_ =	shalt  }
0x69: {  	_ =	shalt  }
0x6a: {  	_ =	shalt  }
0x6b: {  	_ =	shalt  }
0x6c: {  	_ =	shalt  }
0x6d: {  	_ =	shalt  }
0x6e: {  	_ =	shalt  }
0x6f: {  	_ =	shalt  }
0x70: {  	_ =	shalt  }
0x71: {  	_ =	shalt  }
0x72: {  	_ =	shalt  }
0x73: {  	_ =	shalt  }
0x74: {  	_ =	shalt  }
0x75: {  	_ =	shalt  }
0x76: {  	_ =	shalt  }
0x77: {  	_ =	shalt  }
0x78: {  	_ =	shalt  }
0x79: {  	_ =	shalt  }
0x7a: {  	_ =	shalt  }
0x7b: {  	_ =	shalt  }
0x7c: {  	_ =	shalt  }
0x7d: {  	_ =	shalt  }
0x7e: {  	_ =	shalt  }
0x7f: {  	_ =	shalt  }
0x80: {  	_ =	shalt  }
0x81: {  	_ =	shalt  }
0x82: {  	_ =	shalt  }
0x83: {  	_ =	shalt  }
0x84: {  	_ =	shalt  }
0x85: {  	_ =	shalt  }
0x86: {  	_ =	shalt  }
0x87: {  	_ =	shalt  }
.Lfunc_end0:
.L_simem_size_0:
called_computation.1_lowered:
.L_overlay_start_0:
0x88: {  	s2 =	sld [smem:$0x3FD9]  }
0x89: {  	s3 =	sld [smem:$0x3FFE];
	_ =	sdelay $0x1  }
0x8a: {  	s1 =	srdreg.scid  }
0x8b: {  	s0 =	sand.u32 $0x1, s1  }
0x8c: {  	s17 =	sshll.u32 s0, $0xA;
	s2 =	sadd.s32 s3, s2  }
0x8d: {  	s2 =	sadd.s32 s2, s17  }
0x8e: {  	[smem:$0x3FC0] =	sst s2  }
0x8f: {  	_ = 	snop  }
0x90: {  	s2 =	sld [smem:$0x3FD0];
	(tm) =	ssettm $0x1  }
0x91: {  	s18 =	sld [smem:$0x3FFB];
	_ =	sdelay $0x3  }
0x92: {  	_ =	strace s18  }
0x93: {  	s3 =	sld [smem:$0x3FFC];
	_ =	sdelay $0x3  }
0x94: {  	_ =	strace s3  }
0x95: {  	s3 =	sld [smem:$0x3FFD];
	_ =	sdelay $0x3  }
0x96: {  	_ =	strace s3  }
0x97: {  	_ =	strace $0x8FFFFFFF  }
0x98: {  	s19 =	sld [smem:$0x3FDB];
	_ =	sdelay $0x1  }
0x99: {  	s4 =	simm.s32 $_scs_section_size  }
0x9a: {  	s5 =	simm.s32 $_size__tile_overlayer_lowered;
	s6 =	simm.s32 $_tile_overlayer_lowered  }
0x9b: {  	s22 =	simm.s32 $0x1BFF;
	s21 =	sshll.u32 s6, $0x1;
	s3 =	sadd.s32 s4, s19  }
0x9c: {  	s7 =	simm.s32 $0x0;
	s20 =	sshll.u32 s5, $0x1;
	s5 =	sadd.s32 s21, s3  }
0x9d: {  	[timem:s7], [sflag:s22] =	dma.local [hbm:s5], s20  }
0x9e: {  	_ =	swait.ge [sflag:s22], s20  }
0x9f: {  	s4 =	ssub.s32 $0x0, s20;
	[sflag:s22] =	ssyncset.done $0x0  }
0xa0: {  	[sflag:s22] =	ssyncadd.s32 s4;
	_ =	sdelay $0x1  }
0xa1: {  	s23 =	simm.s32 $0x1B8B  }
0xa2: {  	_ =	swait.ge [sflag:s23], $0x1  }
0xa3: {  	[sflag:s23] =	ssyncset.done $0x0  }
0xa4: {  	s25 =	simm.s32 $0x1B8E;
	s24 =	sld [smem:$0x3FFE];
	[sflag:s23] =	ssyncadd.s32 $0xFFFFFFFF  }
0xa5: {  	s26 =	simm.s32 $execute0_lowered;
	[smem:$0x3FD2] =	sst s25  }
0xa6: {  	s5 =	sshll.u32 s26, $0x1;
	_ =	strace $0x80000049;
	[dreg:$0x1] =	wrdreg $0xFFFFFFFF  }
0xa7: {  	s28 =	simm.s32 $_size_execute0_lowered;
	s3 =	sadd.s32 s3, s5;
	[dreg:$0x0] =	wrdreg $0x0  }
0xa8: {  	s5 =	sshll.u32 s28, $0x1;
	[dreg:$0x2] =	wrdreg s3  }
0xa9: {  	[dreg:$0x3] =	wrdreg s5  }
0xaa: {  	[dreg:$0x4] =	wrdreg $0xC0  }
0xab: {  	_ =	task [dreg:s7], $0x5FFFF  }
0xac: {  	[dreg:$0x1] =	wrdreg $0xFFFFFFFF  }
0xad: {  	[dreg:$0x0] =	wrdreg $0x60  }
0xae: {  	[dreg:$0x2] =	wrdreg s2  }
0xaf: {  	[dreg:$0x3] =	wrdreg s24  }
0xb0: {  	[dreg:$0x4] =	wrdreg $0xB7800  }
0xb1: {  	[dreg:$0x5] =	wrdreg $0x9  }
0xb2: {  	_ =	task.clear_ibuf [dreg:s7], $0x6FFFF;
	_ =	strace $0x90000049  }
0xb3: {  	s29 =	simm.s32 $0x9;
	_ =	strace $0x8000004B  }
0xb4: {  	_ =	swait.ge [sflag:s29], $0x1  }
0xb5: {  	[sflag:s29] =	ssyncadd.s32 $0xFFFFFFFF  }
0xb6: {  	_ =	strace $0x9000004B  }
0xb7: {  	_ =	sfence  }
0xb8: {  	s30 =	sld [smem:$0x0];
	_ =	sdelay $0x2  }
0xb9: {  	s31 =	sshll.u32 s1, $0xD;
	s1 =	sshrl.u32 s1, $0x2  }
0xba: {  	s3 =	sand.u32 $0x4000, s31;
	s1 =	sadd.s32 s1, s30  }
0xbb: {  	s0 =	sor.u32 s3, s0;
	s1 =	sshll.u32 s1, $0x11  }
0xbc: {  	s0 =	sor.u32 s1, s0  }
0xbd: {  	s0 =	sadd.s32 $0x8F2B, s0  }
0xbe: {  	[sflag:s0] =	ssyncadd.remote.s32 $0x1  }
0xbf: {  	_ =	sfence.sel $0xFFFF  }
0xc0: {  	[dreg:$0x0] =	wrdreg $0xFFFFFFFF;
	(pc) =	sbr.abs _section_cstart, $3  }
0xc1: {  	[dreg:$0x1] =	wrdreg $0xFFFFFFFF  }
0xc2: {  	_ =	task.clear_ibuf [dreg:s7], $0x2FFFF;
	_ =	strace $0x9FFFFFFF  }
0xc3: {  	(tm) =	ssettm $0x7FFFFFFF  }
tec
execute0_lowered:
.L_overlay_start_1:
0x0: {  	(tag) =	ssettag $0x1  }
0x1: {  	s1 =	rddreg [dreg:$0x0]  }
0x2: {  	s2 =	srdreg.scid;
	s7 =	rddreg [dreg:$0x1]  }
0x3: {  	s0 =	stileid.u32;
	s3 =	rddreg [dreg:$0x2]  }
0x4: {  	s4 =	simm.s32 $0x0;
	s14 =	simm.s32 $0x50;
	s15 =	simm.s32 $0x6780  }
0x5: {  	s16 =	simm.s32 $0x8F80;
	s17 =	simm.s32 $0x1;
	s18 =	simm.s32 $0x2  }
0x6: {  	s19 =	simm.s32 $0x6580;
	s20 =	simm.s32 $0x0;
	s6 =	sand.u32 $0x1, s2  }
0x7: {  	s28 =	sshll.u32 s0, $0x1;
	s2 =	rddreg [dreg:$0x3];
	s10 =	smul.u32 $0x13C00, s0  }
0x8: {  	[smem:$0x7FF] =	sst s4;
	s29 =	smul.u32 $0x4E200, s0;
	s31 =	sshll.u32 s0, $0x6  }
0x9: {  	s5 =	sor.u32 s6, s28;
	s9 =	smul.u32 $0x13C000, s6;
	_ =	strace $0x8000004A  }
0xa: {  	s6 =	ssub.s32 $0x2, s6;
	s8 =	smul.u32 $0x4E2, s5;
	s5 =	sshll.u32 s5, $0xB  }
0xb: {  	s30 =	sshrl.u32 s6, $0x1;
	s11 =	sadd.s32 s5, s7;
	s9 =	sadd.s32 s10, s9  }
0xc: {  	s5 =	sadd.s32 $0x1CA00, s7;
	s10 =	sshrl.u32 s29, $0x2;
	s12 =	ssub.s32 s6, s30  }
0xd: {  	s6 =	sor.u32 $0x1C03, s31;
	s8 =	sadd.s32 s8, s7;
	s9 =	sshrl.u32 s9, $0x3  }
0xe: {  	s13 =	sadd.s32 s10, s3;
	s10 =	smax.u32 s12, $0x1;
	s12 =	simm.s32 $0x3  }
0xf: {  	s9 =	sadd.s32 s9, s7;
	s7 =	sadd.s32 $0x2C00, s8;
	s8 =	sadd.s32 $0xCA00, s11  }
0x10: {  	s11 =	sshrl.u32 s13, $0x3;
	s13 =	simm.s32 $0x2780;
	s9 =	sadd.s32 $0x1F200, s9  }
.LBB2_1:
0x11: {  	[spmem:s11], [sflag:s6] =	dma.local [hbm:s5], $0x2710  }
0x12: {  	_ =	swait.ge [sflag:s12], $0x2710  }
0x13: {  	[sflag:s12] =	ssyncset.done $0x0  }
0x14: {  	[sflag:s12] =	ssyncadd.s32 $0xFFFFD8F0  }
0x15: {  	[tilespmem:s4], [sflag:$0x3] =	stream.linear.gather [hbm4b:s7+s4], $0x2710, $0x38;
	[tilespmem:$0x1F000] =	vst v63  }
0x16: {  	_ =	swait.ge [sflag:s12], $0x2710  }
0x17: {  	[sflag:s12] =	ssyncset.done $0x0  }
0x18: {  	[sflag:s12] =	ssyncadd.s32 $0xFFFFD8F0  }
0x19: {  	[tilespmem:s13], [sflag:$0x3] =	stream.linear.gather [hbm4b:s8+s4], $0x3E80, $0x38;
	[tilespmem:$0x1F000] =	vst v63  }
0x1a: {  	_ =	swait.ge [sflag:s12], $0x3E80  }
0x1b: {  	[sflag:s12] =	ssyncset.done $0x0  }
0x1c: {  	[sflag:s12] =	ssyncadd.s32 $0xFFFFC180  }
0x1d: {  	[bflag:$0x0] =	sbarrier.arrive $0xFFFF  }
0x1e: {  	[tilespmem:s15], [sflag:$0x1] =	stream.indirect.gather [hbm4b:s1+s14], $0x80, s4, s14, $0xb8;
	[tilespmem:$0x1F000] =	vst v63  }
0x1f: {  	s21 =	simm.s32 $0x50  }
0x20: {  	[tilespmem:s16], [sflag:$0x2] =	stream.indirect.gather [hbm4b:s1+s14], $0x80, s21, s14, $0xb8;
	[tilespmem:$0x1F000] =	vst v63  }
0x21: {  	_ =	swait.ge [sflag:s17], $0x2800  }
0x22: {  	[sflag:s17] =	ssyncset.done $0x0  }
0x23: {  	s29 =	simm.s32 $0x2780;
	[sflag:s17] =	ssyncadd.s32 $0xFFFFD800  }
0x24: {  	[spmem:s3] =	stream.indirect.scatter.add.f32 [tilespmem:s15], [sflag:$0x3], $0x80, s29, s14, $0xb8;
	[tilespmem:$0x1F000] =	vst v63  }
0x25: {  	_ =	swait.ge [sflag:s12], $0x2800  }
0x26: {  	[sflag:s12] =	ssyncset.done $0x0  }
0x27: {  	s30 =	simm.s32 $0xA0;
	[sflag:s12] =	ssyncadd.s32 $0xFFFFD800  }
0x28: {  	[tilespmem:s15], [sflag:$0x1] =	stream.indirect.gather [hbm4b:s1+s14], $0x80, s30, s14, $0xb8;
	[tilespmem:$0x1F000] =	vst v63  }
0x29: {  	_ =	swait.ge [sflag:s18], $0x2800  }
0x2a: {  	[sflag:s18] =	ssyncset.done $0x0  }
0x2b: {  	s31 =	simm.s32 $0x2800;
	[sflag:s18] =	ssyncadd.s32 $0xFFFFD800  }
0x2c: {  	[spmem:s3] =	stream.indirect.scatter.add.f32 [tilespmem:s16], [sflag:$0x3], $0x80, s31, s14, $0xb8;
	[tilespmem:$0x1F000] =	vst v63  }
0x2d: {  	s22 =	simm.s32 $0x400;
	_ =	swait.ge [sflag:s12], $0x2800  }
0x2e: {  	s23 =	simm.s32 $0x800;
	s21 =	simm.s32 $0x140;
	[sflag:s12] =	ssyncset.done $0x0  }
.LBB2_2:
0x2f: {  	p0 =	sne.s32 s23, $0xF400;
	s24 =	sadd.s32 $0xFFFFFFB0, s21;
	[sflag:s12] =	ssyncadd.s32 $0xFFFFD800  }
0x30: {  	[tilespmem:s16], [sflag:$0x2] =	stream.indirect.gather [hbm4b:s1+s14], $0x80, s24, s14, $0xb8;
	[tilespmem:$0x1F000] =	vst v63  }
0x31: {  	s24 =	smov.u32 s23;
	s23 =	sadd.s32 $0x400, s23;
	_ =	swait.ge [sflag:s17], $0x2800  }
0x32: {  	s25 =	sshra.s32 s22, $0x2;
	s22 =	smov.u32 s24;
	[sflag:s17] =	ssyncset.done $0x0  }
0x33: {  	s24 =	sadd.s32 $0x2780, s25;
	[sflag:s17] =	ssyncadd.s32 $0xFFFFD800  }
0x34: {  	[spmem:s3] =	stream.indirect.scatter.add.f32 [tilespmem:s15], [sflag:$0x3], $0x80, s24, s14, $0xb8;
	[tilespmem:$0x1F000] =	vst v63  }
0x35: {  	_ =	swait.ge [sflag:s12], $0x2800  }
0x36: {  	[sflag:s12] =	ssyncset.done $0x0  }
0x37: {  	[sflag:s12] =	ssyncadd.s32 $0xFFFFD800  }
0x38: {  	[tilespmem:s15], [sflag:$0x1] =	stream.indirect.gather [hbm4b:s1+s14], $0x80, s21, s14, $0xb8;
	[tilespmem:$0x1F000] =	vst v63  }
0x39: {  	_ =	swait.ge [sflag:s18], $0x2800  }
.Ltmp0:
0x3a: {  	[sflag:s18] =	ssyncset.done $0x0;
	(pc) =	sbr.rel @p0 .LBB2_2-.Ltmp0, $4  }
0x3b: {  	s24 =	sadd.s32 $0x2800, s25;
	[sflag:s18] =	ssyncadd.s32 $0xFFFFD800  }
0x3c: {  	[spmem:s3] =	stream.indirect.scatter.add.f32 [tilespmem:s16], [sflag:$0x3], $0x80, s24, s14, $0xb8;
	[tilespmem:$0x1F000] =	vst v63  }
0x3d: {  	_ =	swait.ge [sflag:s12], $0x2800  }
0x3e: {  	s21 =	sadd.s32 $0xA0, s21;
	[sflag:s12] =	ssyncset.done $0x0  }
0x3f: {  	s23 =	sadd.s32 $0xFFFFFFB0, s21;
	[sflag:s12] =	ssyncadd.s32 $0xFFFFD800  }
0x40: {  	[tilespmem:s16], [sflag:$0x2] =	stream.indirect.gather [hbm4b:s1+s14], $0x80, s23, s14, $0xb8;
	[tilespmem:$0x1F000] =	vst v63  }
0x41: {  	_ =	swait.ge [sflag:s17], $0x2800  }
0x42: {  	s22 =	sshra.s32 s22, $0x2;
	[sflag:s17] =	ssyncset.done $0x0  }
0x43: {  	s30 =	sadd.s32 $0x2780, s22;
	[sflag:s17] =	ssyncadd.s32 $0xFFFFD800  }
0x44: {  	[spmem:s3] =	stream.indirect.scatter.add.f32 [tilespmem:s15], [sflag:$0x3], $0x80, s30, s14, $0xb8;
	[tilespmem:$0x1F000] =	vst v63  }
0x45: {  	_ =	swait.ge [sflag:s12], $0x2800  }
0x46: {  	[sflag:s12] =	ssyncset.done $0x0  }
0x47: {  	[sflag:s12] =	ssyncadd.s32 $0xFFFFD800  }
0x48: {  	[tilespmem:s15], [sflag:$0x1] =	stream.indirect.gather [hbm4b:s1+s14], $0x80, s21, s14, $0xb8;
	[tilespmem:$0x1F000] =	vst v63  }
0x49: {  	_ =	swait.ge [sflag:s18], $0x2800  }
0x4a: {  	[sflag:s18] =	ssyncset.done $0x0  }
0x4b: {  	s31 =	sadd.s32 $0x2800, s22;
	[sflag:s18] =	ssyncadd.s32 $0xFFFFD800  }
0x4c: {  	[spmem:s3] =	stream.indirect.scatter.add.f32 [tilespmem:s16], [sflag:$0x3], $0x80, s31, s14, $0xb8;
	[tilespmem:$0x1F000] =	vst v63  }
0x4d: {  	_ =	swait.ge [sflag:s12], $0x2800  }
0x4e: {  	[sflag:s12] =	ssyncset.done $0x0  }
0x4f: {  	[sflag:s12] =	ssyncadd.s32 $0xFFFFD800  }
0x50: {  	_ =	swait.ge [sflag:s17], $0x2800  }
0x51: {  	[sflag:s17] =	ssyncset.done $0x0  }
0x52: {  	[sflag:s17] =	ssyncadd.s32 $0xFFFFD800  }
0x53: {  	[spmem:s3] =	stream.indirect.scatter.add.f32 [tilespmem:s15], [sflag:$0x3], $0x80, s19, s14, $0xb8;
	[tilespmem:$0x1F000] =	vst v63  }
0x54: {  	_ =	swait.ge [sflag:s12], $0x2800  }
0x55: {  	s20 =	sadd.s32 $0x1, s20;
	[sflag:s12] =	ssyncset.done $0x0  }
0x56: {  	p0 =	sne.s32 s20, s10;
	[sflag:s12] =	ssyncadd.s32 $0xFFFFD800  }
.Ltmp1:
0x57: {  	[bflag:$0x0] =	sbarrier.arrive $0xFFFF;
	(pc) =	sbr.rel @p0 .LBB2_1-.Ltmp1, $4  }
0x58: {  	[hbm:s9], [sflag:s6] =	dma.local [spmem:s11], $0x2710  }
0x59: {  	_ =	swait.ge [sflag:s12], $0x2710  }
0x5a: {  	[sflag:s12] =	ssyncset.done $0x0  }
0x5b: {  	[sflag:s12] =	ssyncadd.s32 $0xFFFFD8F0  }
0x5c: {  	_ =	sfence.sel $0x180000  }
0x5d: {  	[bflag:$0x0] =	sbarrier.arrive $0xFFFF  }
0x5e: {  	p0 =	sne.s32 s0, $0x0;
	_ =	strace $0x9000004A  }
0x5f: {  	s0 =	sadd.s32 @!p0 $0x100000, s2;
	[bflag:$0x2] =	sbarrier.arrive $0xFFFF  }
0x60: {  	[sflag:s0] =	ssyncadd.tile.s32 @!p0 $0x1;
	_ =	shalt  }
.Lfunc_end2:
_tile_overlayer_lowered:
.L_overlay_start_2:
0x61: {  	(tag) =	ssettag $0x2  }
0x62: {  	s0 =	rddreg [dreg:$0x0];
	s2 =	stileid.u32  }
0x63: {  	s1 =	rddreg [dreg:$0x1];
	p0 =	sne.s32 s2, $0x0  }
0x64: {  	s3 =	rddreg [dreg:$0x2];
	[bflag:$0x3] =	sbarrier.arrive $0xFFFF;
	s2 =	simm.s32 @!p0 $0x1C03  }
0x65: {  	[timem:s3], [sflag:s2] =	dma.local @!p0 [hbm:s0], s1  }
0x66: {  	s0 =	simm.s32 @!p0 $0x3  }
0x67: {  	_ =	swait.ge @!p0 [sflag:s0], s1  }
0x68: {  	s1 =	ssub.s32 @!p0 $0x0, s1;
	[sflag:s0] =	ssyncset.done @!p0 $0x0  }
0x69: {  	[sflag:s0] =	ssyncadd.s32 @!p0 s1  }
0x6a: {  	[bflag:$0x3] =	sbarrier.arrive $0xFFFF  }
0x6b: {  	_ =	shalt  }

// kernel: kernel.16.cloned.1.call-start
scs
__scs_entry_jumppad:
0x0: {  	(pc) =	sbr.rel $0x88, $3  }
0x1: {  	(tag) =	ssettag $0x0;
	lr =	simm.s32 $0x1  }
0x2: {  	[smem:$0x3F99] =	sst lr;
	_ =	strace $0xD0000000  }
0x3: {  	_ = 	snop  }
0x4: {  	_ = 	snop  }
0x5: {  	_ = 	snop  }
0x6: {  	_ = 	snop  }
0x7: {  	_ = 	snop  }
__scs_overlays_trampoline_lowered:
0x8: {  	[smem:$0x3FA8] =	sst s0  }
0x9: {  	[smem:$0x3FA9] =	sst s1  }
0xa: {  	[smem:$0x3FAA] =	sst s2  }
0xb: {  	[smem:$0x3FAB] =	sst s3  }
0xc: {  	[smem:$0x3FAC] =	sst s4  }
0xd: {  	[smem:$0x3FAD] =	sst s5  }
0xe: {  	[smem:$0x3FAE] =	sst s6  }
0xf: {  	[smem:$0x3FAF] =	sst s7  }
0x10: {  	[smem:$0x3FB0] =	sst s8  }
0x11: {  	[smem:$0x3FB1] =	sst s9;
	s0 =	simm.s32 @!p0 $0x0  }
0x12: {  	s1 =	sld [smem:$0x3F97];
	s0 =	simm.s32 @p0 $0x1  }
0x13: {  	[smem:$0x3FB2] =	sst s0;
	s0 =	simm.s32 @!p1 $0x0  }
0x14: {  	s2 =	sld [smem:$0x3F96];
	s0 =	simm.s32 @p1 $0x1  }
0x15: {  	[smem:$0x3FB3] =	sst s0;
	s0 =	simm.s32 @!p2 $0x0  }
0x16: {  	s3 =	sld [smem:$0x3FDB];
	s0 =	simm.s32 @p2 $0x1  }
0x17: {  	s4 =	simm.s32 $0x1BF5;
	[smem:$0x3FB5] =	sst s0  }
0x18: {  	s0 =	sld [smem:$0x3F98];
	_ =	swait.ge [sflag:s4], $0x0  }
0x19: {  	s7 =	sld [smem:$0x3F99]  }
0x1a: {  	s8 =	sadd.s32 $0xFFFFE003, lr  }
0x1b: {  	s9 =	sadd.s32 $0xFFFFFEF7, lr;
	s5 =	simm.s32 $0xFFFFFFFF;
	p2 =	slt.u32 s8, $0xFFFFF086  }
0x1c: {  	p1 =	slt.u32 s9, $0xF7A;
	s5 =	simm.s32 @!p2 $0x0  }
0x1d: {  	s5 =	simm.s32 @p1 $0x1;
	p0 =	seq.s32 s7, s2  }
0x1e: {  	s7 =	smul.u32 @!p0 $0xF7A, s2;
	p2 =	seq.s32 @!p0 s5, $0x0  }
0x1f: {  	s9 =	smul.u32 $0xF7A, s1;
	s8 =	simm.s32 @!p0 $0x1BF5;
	p2 =	por !p2, p0  }
0x20: {  	[sflag:s8] =	ssyncset.s32 @!p0 $0xFFFFF086;
	s6 =	sadd.s32 @!p0 s3, s7;
	s7 =	simm.s32 @!p0 $0x108  }
0x21: {  	s3 =	sadd.s32 s3, s9;
	s6 =	sadd.s32 @!p0 $0x88, s6;
	s7 =	simm.s32 @p2 $0x1082  }
0x22: {  	[simem:s7], [sflag:s8] =	dma.local @!p0 [hbm:s6], $0xF7A  }
0x23: {  	s9 =	sor.u32 $0xD0000000, s2;
	s6 =	simm.s32 $0x108;
	_ =	swait.ge @!p0 [sflag:s8], $0x0  }
0x24: {  	s3 =	sadd.s32 $0x88, s3;
	s6 =	simm.s32 @!p1 $0x1082;
	[sflag:s4] =	ssyncset.s32 $0xFFFFF086  }
0x25: {  	[simem:s6], [sflag:s4] =	dma.local [hbm:s3], $0xF7A  }
0x26: {  	[smem:$0x3F99] =	sst s1;
	(tag) =	ssettag s2;
	_ =	strace s9  }
0x27: {  	s1 =	sld [smem:$0x3FA9]  }
0x28: {  	s2 =	sld [smem:$0x3FAA]  }
0x29: {  	s4 =	sld [smem:$0x3FAC]  }
0x2a: {  	p0 =	seq.s32 s5, $0x0;
	s5 =	sld [smem:$0x3FAD]  }
0x2b: {  	s6 =	sld [smem:$0x3FAE]  }
0x2c: {  	s7 =	sld [smem:$0x3FAF]  }
0x2d: {  	s3 =	simm.s32 $0x108;
	s8 =	sld [smem:$0x3FB0]  }
0x2e: {  	s3 =	simm.s32 @!p0 $0x1082;
	s9 =	sld [smem:$0x3FB1]  }
0x2f: {  	lr =	sadd.s32 s0, s3;
	s0 =	sld [smem:$0x3FA8]  }
0x30: {  	s3 =	sld [smem:$0x3FAB]  }
0x31: {  	[smem:$0x3FB4] =	sst s10  }
0x32: {  	s10 =	sld [smem:$0x3FB2];
	_ =	sdelay $0x3  }
0x33: {  	p0 =	seq.s32 s10, $0x1;
	s10 =	sld [smem:$0x3FB4];
	_ =	sdelay $0x3  }
0x34: {  	[smem:$0x3FB4] =	sst s10  }
0x35: {  	s10 =	sld [smem:$0x3FB3];
	_ =	sdelay $0x3  }
0x36: {  	p1 =	seq.s32 s10, $0x1;
	s10 =	sld [smem:$0x3FB4];
	_ =	sdelay $0x3  }
0x37: {  	[smem:$0x3FB4] =	sst s10  }
0x38: {  	s10 =	sld [smem:$0x3FB5]  }
0x39: {  	_ = 	snop;
	(pc) =	sbr.ind lr, $3  }
0x3a: {  	_ = 	snop  }
0x3b: {  	_ = 	snop  }
0x3c: {  	p2 =	seq.s32 s10, $0x1;
	s10 =	sld [smem:$0x3FB4]  }
0x3d: {  	_ =	shalt  }
0x3e: {  	_ =	shalt  }
0x3f: {  	_ =	shalt  }
0x40: {  	_ =	shalt  }
0x41: {  	_ =	shalt  }
0x42: {  	_ =	shalt  }
0x43: {  	_ =	shalt  }
0x44: {  	_ =	shalt  }
0x45: {  	_ =	shalt  }
0x46: {  	_ =	shalt  }
0x47: {  	_ =	shalt  }
0x48: {  	_ =	shalt  }
0x49: {  	_ =	shalt  }
0x4a: {  	_ =	shalt  }
0x4b: {  	_ =	shalt  }
0x4c: {  	_ =	shalt  }
0x4d: {  	_ =	shalt  }
0x4e: {  	_ =	shalt  }
0x4f: {  	_ =	shalt  }
0x50: {  	_ =	shalt  }
0x51: {  	_ =	shalt  }
0x52: {  	_ =	shalt  }
0x53: {  	_ =	shalt  }
0x54: {  	_ =	shalt  }
0x55: {  	_ =	shalt  }
0x56: {  	_ =	shalt  }
0x57: {  	_ =	shalt  }
0x58: {  	_ =	shalt  }
0x59: {  	_ =	shalt  }
0x5a: {  	_ =	shalt  }
0x5b: {  	_ =	shalt  }
0x5c: {  	_ =	shalt  }
0x5d: {  	_ =	shalt  }
0x5e: {  	_ =	shalt  }
0x5f: {  	_ =	shalt  }
0x60: {  	_ =	shalt  }
0x61: {  	_ =	shalt  }
0x62: {  	_ =	shalt  }
0x63: {  	_ =	shalt  }
0x64: {  	_ =	shalt  }
0x65: {  	_ =	shalt  }
0x66: {  	_ =	shalt  }
0x67: {  	_ =	shalt  }
0x68: {  	_ =	shalt  }
0x69: {  	_ =	shalt  }
0x6a: {  	_ =	shalt  }
0x6b: {  	_ =	shalt  }
0x6c: {  	_ =	shalt  }
0x6d: {  	_ =	shalt  }
0x6e: {  	_ =	shalt  }
0x6f: {  	_ =	shalt  }
0x70: {  	_ =	shalt  }
0x71: {  	_ =	shalt  }
0x72: {  	_ =	shalt  }
0x73: {  	_ =	shalt  }
0x74: {  	_ =	shalt  }
0x75: {  	_ =	shalt  }
0x76: {  	_ =	shalt  }
0x77: {  	_ =	shalt  }
0x78: {  	_ =	shalt  }
0x79: {  	_ =	shalt  }
0x7a: {  	_ =	shalt  }
0x7b: {  	_ =	shalt  }
0x7c: {  	_ =	shalt  }
0x7d: {  	_ =	shalt  }
0x7e: {  	_ =	shalt  }
0x7f: {  	_ =	shalt  }
0x80: {  	_ =	shalt  }
0x81: {  	_ =	shalt  }
0x82: {  	_ =	shalt  }
0x83: {  	_ =	shalt  }
0x84: {  	_ =	shalt  }
0x85: {  	_ =	shalt  }
0x86: {  	_ =	shalt  }
0x87: {  	_ =	shalt  }
.Lfunc_end0:
.L_simem_size_0:
called_computation.2_lowered:
.L_overlay_start_0:
0x88: {  	s2 =	sld [smem:$0x3FD9]  }
0x89: {  	s3 =	sld [smem:$0x3FFE];
	_ =	sdelay $0x1  }
0x8a: {  	s1 =	srdreg.scid  }
0x8b: {  	s0 =	sand.u32 $0x1, s1  }
0x8c: {  	s17 =	sshll.u32 s0, $0xA;
	s2 =	sadd.s32 s3, s2  }
0x8d: {  	s2 =	sadd.s32 s2, s17  }
0x8e: {  	[smem:$0x3FC0] =	sst s2  }
0x8f: {  	_ = 	snop  }
0x90: {  	s2 =	sld [smem:$0x3FD0];
	(tm) =	ssettm $0x1  }
0x91: {  	s18 =	sld [smem:$0x3FFB];
	_ =	sdelay $0x3  }
0x92: {  	_ =	strace s18  }
0x93: {  	s3 =	sld [smem:$0x3FFC];
	_ =	sdelay $0x3  }
0x94: {  	_ =	strace s3  }
0x95: {  	s3 =	sld [smem:$0x3FFD];
	_ =	sdelay $0x3  }
0x96: {  	_ =	strace s3  }
0x97: {  	_ =	strace $0x8FFFFFFF  }
0x98: {  	s19 =	sld [smem:$0x3FDB];
	_ =	sdelay $0x1  }
0x99: {  	s4 =	simm.s32 $_scs_section_size  }
0x9a: {  	s5 =	simm.s32 $_size__tile_overlayer_lowered;
	s6 =	simm.s32 $_tile_overlayer_lowered  }
0x9b: {  	s22 =	simm.s32 $0x1BFF;
	s21 =	sshll.u32 s6, $0x1;
	s3 =	sadd.s32 s4, s19  }
0x9c: {  	s7 =	simm.s32 $0x0;
	s20 =	sshll.u32 s5, $0x1;
	s5 =	sadd.s32 s21, s3  }
0x9d: {  	[timem:s7], [sflag:s22] =	dma.local [hbm:s5], s20  }
0x9e: {  	_ =	swait.ge [sflag:s22], s20  }
0x9f: {  	s4 =	ssub.s32 $0x0, s20;
	[sflag:s22] =	ssyncset.done $0x0  }
0xa0: {  	[sflag:s22] =	ssyncadd.s32 s4;
	_ =	sdelay $0x1  }
0xa1: {  	s23 =	simm.s32 $0x1B8B  }
0xa2: {  	_ =	swait.ge [sflag:s23], $0x1  }
0xa3: {  	[sflag:s23] =	ssyncset.done $0x0  }
0xa4: {  	s25 =	simm.s32 $0x1B8E;
	s24 =	sld [smem:$0x3FFE];
	[sflag:s23] =	ssyncadd.s32 $0xFFFFFFFF  }
0xa5: {  	s26 =	simm.s32 $execute0_lowered;
	[smem:$0x3FD2] =	sst s25  }
0xa6: {  	s5 =	sshll.u32 s26, $0x1;
	_ =	strace $0x8000004C;
	[dreg:$0x1] =	wrdreg $0xFFFFFFFF  }
0xa7: {  	s28 =	simm.s32 $_size_execute0_lowered;
	s3 =	sadd.s32 s3, s5;
	[dreg:$0x0] =	wrdreg $0x0  }
0xa8: {  	s5 =	sshll.u32 s28, $0x1;
	[dreg:$0x2] =	wrdreg s3  }
0xa9: {  	[dreg:$0x3] =	wrdreg s5  }
0xaa: {  	[dreg:$0x4] =	wrdreg $0xC0  }
0xab: {  	_ =	task [dreg:s7], $0x5FFFF  }
0xac: {  	[dreg:$0x1] =	wrdreg $0xFFFFFFFF  }
0xad: {  	[dreg:$0x0] =	wrdreg $0x60  }
0xae: {  	[dreg:$0x2] =	wrdreg s2  }
0xaf: {  	[dreg:$0x3] =	wrdreg s24  }
0xb0: {  	[dreg:$0x4] =	wrdreg $0xB7800  }
0xb1: {  	[dreg:$0x5] =	wrdreg $0x9  }
0xb2: {  	_ =	task.clear_ibuf [dreg:s7], $0x6FFFF;
	_ =	strace $0x9000004C  }
0xb3: {  	s29 =	simm.s32 $0x9;
	_ =	strace $0x8000004E  }
0xb4: {  	_ =	swait.ge [sflag:s29], $0x1  }
0xb5: {  	[sflag:s29] =	ssyncadd.s32 $0xFFFFFFFF  }
0xb6: {  	_ =	strace $0x9000004E  }
0xb7: {  	_ =	sfence  }
0xb8: {  	s30 =	sld [smem:$0x0];
	_ =	sdelay $0x2  }
0xb9: {  	s31 =	sshll.u32 s1, $0xD;
	s1 =	sshrl.u32 s1, $0x2  }
0xba: {  	s3 =	sand.u32 $0x4000, s31;
	s1 =	sadd.s32 s1, s30  }
0xbb: {  	s0 =	sor.u32 s3, s0;
	s1 =	sshll.u32 s1, $0x11  }
0xbc: {  	s0 =	sor.u32 s1, s0  }
0xbd: {  	s0 =	sadd.s32 $0x8F2B, s0  }
0xbe: {  	[sflag:s0] =	ssyncadd.remote.s32 $0x1  }
0xbf: {  	_ =	sfence.sel $0xFFFF  }
0xc0: {  	[dreg:$0x0] =	wrdreg $0xFFFFFFFF;
	(pc) =	sbr.abs _section_cstart, $3  }
0xc1: {  	[dreg:$0x1] =	wrdreg $0xFFFFFFFF  }
0xc2: {  	_ =	task.clear_ibuf [dreg:s7], $0x2FFFF;
	_ =	strace $0x9FFFFFFF  }
0xc3: {  	(tm) =	ssettm $0x7FFFFFFF  }
tec
execute0_lowered:
.L_overlay_start_1:
0x0: {  	(tag) =	ssettag $0x1  }
0x1: {  	s1 =	rddreg [dreg:$0x0]  }
0x2: {  	s2 =	srdreg.scid;
	s7 =	rddreg [dreg:$0x1]  }
0x3: {  	s0 =	stileid.u32;
	s3 =	rddreg [dreg:$0x2]  }
0x4: {  	s4 =	simm.s32 $0x0;
	s14 =	simm.s32 $0x50;
	s15 =	simm.s32 $0x6780  }
0x5: {  	s16 =	simm.s32 $0x8F80;
	s17 =	simm.s32 $0x1;
	s18 =	simm.s32 $0x2  }
0x6: {  	s19 =	simm.s32 $0x6580;
	s20 =	simm.s32 $0x0;
	s6 =	sand.u32 $0x1, s2  }
0x7: {  	s28 =	sshll.u32 s0, $0x1;
	s2 =	rddreg [dreg:$0x3];
	s10 =	smul.u32 $0x13C00, s0  }
0x8: {  	[smem:$0x7FF] =	sst s4;
	s29 =	smul.u32 $0x4E200, s0;
	s31 =	sshll.u32 s0, $0x6  }
0x9: {  	s5 =	sor.u32 s6, s28;
	s9 =	smul.u32 $0x13C000, s6;
	_ =	strace $0x8000004D  }
0xa: {  	s6 =	ssub.s32 $0x2, s6;
	s8 =	smul.u32 $0x4E2, s5;
	s5 =	sshll.u32 s5, $0xB  }
0xb: {  	s30 =	sshrl.u32 s6, $0x1;
	s11 =	sadd.s32 s5, s7;
	s9 =	sadd.s32 s10, s9  }
0xc: {  	s5 =	sadd.s32 $0x1CA00, s7;
	s10 =	sshrl.u32 s29, $0x2;
	s12 =	ssub.s32 s6, s30  }
0xd: {  	s6 =	sor.u32 $0x1C03, s31;
	s8 =	sadd.s32 s8, s7;
	s9 =	sshrl.u32 s9, $0x3  }
0xe: {  	s13 =	sadd.s32 s10, s3;
	s10 =	smax.u32 s12, $0x1;
	s12 =	simm.s32 $0x3  }
0xf: {  	s9 =	sadd.s32 s9, s7;
	s7 =	sadd.s32 $0x2C00, s8;
	s8 =	sadd.s32 $0xCA00, s11  }
0x10: {  	s11 =	sshrl.u32 s13, $0x3;
	s13 =	simm.s32 $0x2780;
	s9 =	sadd.s32 $0x1F200, s9  }
.LBB2_1:
0x11: {  	[spmem:s11], [sflag:s6] =	dma.local [hbm:s5], $0x2710  }
0x12: {  	_ =	swait.ge [sflag:s12], $0x2710  }
0x13: {  	[sflag:s12] =	ssyncset.done $0x0  }
0x14: {  	[sflag:s12] =	ssyncadd.s32 $0xFFFFD8F0  }
0x15: {  	[tilespmem:s4], [sflag:$0x3] =	stream.linear.gather [hbm4b:s7+s4], $0x2710, $0x38;
	[tilespmem:$0x1F000] =	vst v63  }
0x16: {  	_ =	swait.ge [sflag:s12], $0x2710  }
0x17: {  	[sflag:s12] =	ssyncset.done $0x0  }
0x18: {  	[sflag:s12] =	ssyncadd.s32 $0xFFFFD8F0  }
0x19: {  	[tilespmem:s13], [sflag:$0x3] =	stream.linear.gather [hbm4b:s8+s4], $0x3E80, $0x38;
	[tilespmem:$0x1F000] =	vst v63  }
0x1a: {  	_ =	swait.ge [sflag:s12], $0x3E80  }
0x1b: {  	[sflag:s12] =	ssyncset.done $0x0  }
0x1c: {  	[sflag:s12] =	ssyncadd.s32 $0xFFFFC180  }
0x1d: {  	[bflag:$0x0] =	sbarrier.arrive $0xFFFF  }
0x1e: {  	[tilespmem:s15], [sflag:$0x1] =	stream.indirect.gather [hbm4b:s1+s14], $0x80, s4, s14, $0xb8;
	[tilespmem:$0x1F000] =	vst v63  }
0x1f: {  	s21 =	simm.s32 $0x50  }
0x20: {  	[tilespmem:s16], [sflag:$0x2] =	stream.indirect.gather [hbm4b:s1+s14], $0x80, s21, s14, $0xb8;
	[tilespmem:$0x1F000] =	vst v63  }
0x21: {  	_ =	swait.ge [sflag:s17], $0x2800  }
0x22: {  	[sflag:s17] =	ssyncset.done $0x0  }
0x23: {  	s29 =	simm.s32 $0x2780;
	[sflag:s17] =	ssyncadd.s32 $0xFFFFD800  }
0x24: {  	[spmem:s3] =	stream.indirect.scatter.add.f32 [tilespmem:s15], [sflag:$0x3], $0x80, s29, s14, $0xb8;
	[tilespmem:$0x1F000] =	vst v63  }
0x25: {  	_ =	swait.ge [sflag:s12], $0x2800  }
0x26: {  	[sflag:s12] =	ssyncset.done $0x0  }
0x27: {  	s30 =	simm.s32 $0xA0;
	[sflag:s12] =	ssyncadd.s32 $0xFFFFD800  }
0x28: {  	[tilespmem:s15], [sflag:$0x1] =	stream.indirect.gather [hbm4b:s1+s14], $0x80, s30, s14, $0xb8;
	[tilespmem:$0x1F000] =	vst v63  }
0x29: {  	_ =	swait.ge [sflag:s18], $0x2800  }
0x2a: {  	[sflag:s18] =	ssyncset.done $0x0  }
0x2b: {  	s31 =	simm.s32 $0x2800;
	[sflag:s18] =	ssyncadd.s32 $0xFFFFD800  }
0x2c: {  	[spmem:s3] =	stream.indirect.scatter.add.f32 [tilespmem:s16], [sflag:$0x3], $0x80, s31, s14, $0xb8;
	[tilespmem:$0x1F000] =	vst v63  }
0x2d: {  	s22 =	simm.s32 $0x400;
	_ =	swait.ge [sflag:s12], $0x2800  }
0x2e: {  	s23 =	simm.s32 $0x800;
	s21 =	simm.s32 $0x140;
	[sflag:s12] =	ssyncset.done $0x0  }
.LBB2_2:
0x2f: {  	p0 =	sne.s32 s23, $0xF400;
	s24 =	sadd.s32 $0xFFFFFFB0, s21;
	[sflag:s12] =	ssyncadd.s32 $0xFFFFD800  }
0x30: {  	[tilespmem:s16], [sflag:$0x2] =	stream.indirect.gather [hbm4b:s1+s14], $0x80, s24, s14, $0xb8;
	[tilespmem:$0x1F000] =	vst v63  }
0x31: {  	s24 =	smov.u32 s23;
	s23 =	sadd.s32 $0x400, s23;
	_ =	swait.ge [sflag:s17], $0x2800  }
0x32: {  	s25 =	sshra.s32 s22, $0x2;
	s22 =	smov.u32 s24;
	[sflag:s17] =	ssyncset.done $0x0  }
0x33: {  	s24 =	sadd.s32 $0x2780, s25;
	[sflag:s17] =	ssyncadd.s32 $0xFFFFD800  }
0x34: {  	[spmem:s3] =	stream.indirect.scatter.add.f32 [tilespmem:s15], [sflag:$0x3], $0x80, s24, s14, $0xb8;
	[tilespmem:$0x1F000] =	vst v63  }
0x35: {  	_ =	swait.ge [sflag:s12], $0x2800  }
0x36: {  	[sflag:s12] =	ssyncset.done $0x0  }
0x37: {  	[sflag:s12] =	ssyncadd.s32 $0xFFFFD800  }
0x38: {  	[tilespmem:s15], [sflag:$0x1] =	stream.indirect.gather [hbm4b:s1+s14], $0x80, s21, s14, $0xb8;
	[tilespmem:$0x1F000] =	vst v63  }
0x39: {  	_ =	swait.ge [sflag:s18], $0x2800  }
.Ltmp0:
0x3a: {  	[sflag:s18] =	ssyncset.done $0x0;
	(pc) =	sbr.rel @p0 .LBB2_2-.Ltmp0, $4  }
0x3b: {  	s24 =	sadd.s32 $0x2800, s25;
	[sflag:s18] =	ssyncadd.s32 $0xFFFFD800  }
0x3c: {  	[spmem:s3] =	stream.indirect.scatter.add.f32 [tilespmem:s16], [sflag:$0x3], $0x80, s24, s14, $0xb8;
	[tilespmem:$0x1F000] =	vst v63  }
0x3d: {  	_ =	swait.ge [sflag:s12], $0x2800  }
0x3e: {  	s21 =	sadd.s32 $0xA0, s21;
	[sflag:s12] =	ssyncset.done $0x0  }
0x3f: {  	s23 =	sadd.s32 $0xFFFFFFB0, s21;
	[sflag:s12] =	ssyncadd.s32 $0xFFFFD800  }
0x40: {  	[tilespmem:s16], [sflag:$0x2] =	stream.indirect.gather [hbm4b:s1+s14], $0x80, s23, s14, $0xb8;
	[tilespmem:$0x1F000] =	vst v63  }
0x41: {  	_ =	swait.ge [sflag:s17], $0x2800  }
0x42: {  	s22 =	sshra.s32 s22, $0x2;
	[sflag:s17] =	ssyncset.done $0x0  }
0x43: {  	s30 =	sadd.s32 $0x2780, s22;
	[sflag:s17] =	ssyncadd.s32 $0xFFFFD800  }
0x44: {  	[spmem:s3] =	stream.indirect.scatter.add.f32 [tilespmem:s15], [sflag:$0x3], $0x80, s30, s14, $0xb8;
	[tilespmem:$0x1F000] =	vst v63  }
0x45: {  	_ =	swait.ge [sflag:s12], $0x2800  }
0x46: {  	[sflag:s12] =	ssyncset.done $0x0  }
0x47: {  	[sflag:s12] =	ssyncadd.s32 $0xFFFFD800  }
0x48: {  	[tilespmem:s15], [sflag:$0x1] =	stream.indirect.gather [hbm4b:s1+s14], $0x80, s21, s14, $0xb8;
	[tilespmem:$0x1F000] =	vst v63  }
0x49: {  	_ =	swait.ge [sflag:s18], $0x2800  }
0x4a: {  	[sflag:s18] =	ssyncset.done $0x0  }
0x4b: {  	s31 =	sadd.s32 $0x2800, s22;
	[sflag:s18] =	ssyncadd.s32 $0xFFFFD800  }
0x4c: {  	[spmem:s3] =	stream.indirect.scatter.add.f32 [tilespmem:s16], [sflag:$0x3], $0x80, s31, s14, $0xb8;
	[tilespmem:$0x1F000] =	vst v63  }
0x4d: {  	_ =	swait.ge [sflag:s12], $0x2800  }
0x4e: {  	[sflag:s12] =	ssyncset.done $0x0  }
0x4f: {  	[sflag:s12] =	ssyncadd.s32 $0xFFFFD800  }
0x50: {  	_ =	swait.ge [sflag:s17], $0x2800  }
0x51: {  	[sflag:s17] =	ssyncset.done $0x0  }
0x52: {  	[sflag:s17] =	ssyncadd.s32 $0xFFFFD800  }
0x53: {  	[spmem:s3] =	stream.indirect.scatter.add.f32 [tilespmem:s15], [sflag:$0x3], $0x80, s19, s14, $0xb8;
	[tilespmem:$0x1F000] =	vst v63  }
0x54: {  	_ =	swait.ge [sflag:s12], $0x2800  }
0x55: {  	s20 =	sadd.s32 $0x1, s20;
	[sflag:s12] =	ssyncset.done $0x0  }
0x56: {  	p0 =	sne.s32 s20, s10;
	[sflag:s12] =	ssyncadd.s32 $0xFFFFD800  }
.Ltmp1:
0x57: {  	[bflag:$0x0] =	sbarrier.arrive $0xFFFF;
	(pc) =	sbr.rel @p0 .LBB2_1-.Ltmp1, $4  }
0x58: {  	[hbm:s9], [sflag:s6] =	dma.local [spmem:s11], $0x2710  }
0x59: {  	_ =	swait.ge [sflag:s12], $0x2710  }
0x5a: {  	[sflag:s12] =	ssyncset.done $0x0  }
0x5b: {  	[sflag:s12] =	ssyncadd.s32 $0xFFFFD8F0  }
0x5c: {  	_ =	sfence.sel $0x180000  }
0x5d: {  	[bflag:$0x0] =	sbarrier.arrive $0xFFFF  }
0x5e: {  	p0 =	sne.s32 s0, $0x0;
	_ =	strace $0x9000004D  }
0x5f: {  	s0 =	sadd.s32 @!p0 $0x100000, s2;
	[bflag:$0x2] =	sbarrier.arrive $0xFFFF  }
0x60: {  	[sflag:s0] =	ssyncadd.tile.s32 @!p0 $0x1;
	_ =	shalt  }
.Lfunc_end2:
_tile_overlayer_lowered:
.L_overlay_start_2:
0x61: {  	(tag) =	ssettag $0x2  }
0x62: {  	s0 =	rddreg [dreg:$0x0];
	s2 =	stileid.u32  }
0x63: {  	s1 =	rddreg [dreg:$0x1];
	p0 =	sne.s32 s2, $0x0  }
0x64: {  	s3 =	rddreg [dreg:$0x2];
	[bflag:$0x3] =	sbarrier.arrive $0xFFFF;
	s2 =	simm.s32 @!p0 $0x1C03  }
0x65: {  	[timem:s3], [sflag:s2] =	dma.local @!p0 [hbm:s0], s1  }
0x66: {  	s0 =	simm.s32 @!p0 $0x3  }
0x67: {  	_ =	swait.ge @!p0 [sflag:s0], s1  }
0x68: {  	s1 =	ssub.s32 @!p0 $0x0, s1;
	[sflag:s0] =	ssyncset.done @!p0 $0x0  }
0x69: {  	[sflag:s0] =	ssyncadd.s32 @!p0 s1  }
0x6a: {  	[bflag:$0x3] =	sbarrier.arrive $0xFFFF  }
0x6b: {  	_ =	shalt  }

// kernel: kernel.19.cloned.1.call-start
scs
__scs_entry_jumppad:
0x0: {  	(pc) =	sbr.rel $0x88, $3  }
0x1: {  	(tag) =	ssettag $0x0;
	lr =	simm.s32 $0x1  }
0x2: {  	[smem:$0x3F99] =	sst lr;
	_ =	strace $0xD0000000  }
0x3: {  	_ = 	snop  }
0x4: {  	_ = 	snop  }
0x5: {  	_ = 	snop  }
0x6: {  	_ = 	snop  }
0x7: {  	_ = 	snop  }
__scs_overlays_trampoline_lowered:
0x8: {  	[smem:$0x3FA8] =	sst s0  }
0x9: {  	[smem:$0x3FA9] =	sst s1  }
0xa: {  	[smem:$0x3FAA] =	sst s2  }
0xb: {  	[smem:$0x3FAB] =	sst s3  }
0xc: {  	[smem:$0x3FAC] =	sst s4  }
0xd: {  	[smem:$0x3FAD] =	sst s5  }
0xe: {  	[smem:$0x3FAE] =	sst s6  }
0xf: {  	[smem:$0x3FAF] =	sst s7  }
0x10: {  	[smem:$0x3FB0] =	sst s8  }
0x11: {  	[smem:$0x3FB1] =	sst s9;
	s0 =	simm.s32 @!p0 $0x0  }
0x12: {  	s1 =	sld [smem:$0x3F97];
	s0 =	simm.s32 @p0 $0x1  }
0x13: {  	[smem:$0x3FB2] =	sst s0;
	s0 =	simm.s32 @!p1 $0x0  }
0x14: {  	s2 =	sld [smem:$0x3F96];
	s0 =	simm.s32 @p1 $0x1  }
0x15: {  	[smem:$0x3FB3] =	sst s0;
	s0 =	simm.s32 @!p2 $0x0  }
0x16: {  	s3 =	sld [smem:$0x3FDB];
	s0 =	simm.s32 @p2 $0x1  }
0x17: {  	s4 =	simm.s32 $0x1BF5;
	[smem:$0x3FB5] =	sst s0  }
0x18: {  	s0 =	sld [smem:$0x3F98];
	_ =	swait.ge [sflag:s4], $0x0  }
0x19: {  	s7 =	sld [smem:$0x3F99]  }
0x1a: {  	s8 =	sadd.s32 $0xFFFFE003, lr  }
0x1b: {  	s9 =	sadd.s32 $0xFFFFFEF7, lr;
	s5 =	simm.s32 $0xFFFFFFFF;
	p2 =	slt.u32 s8, $0xFFFFF086  }
0x1c: {  	p1 =	slt.u32 s9, $0xF7A;
	s5 =	simm.s32 @!p2 $0x0  }
0x1d: {  	s5 =	simm.s32 @p1 $0x1;
	p0 =	seq.s32 s7, s2  }
0x1e: {  	s7 =	smul.u32 @!p0 $0xF7A, s2;
	p2 =	seq.s32 @!p0 s5, $0x0  }
0x1f: {  	s9 =	smul.u32 $0xF7A, s1;
	s8 =	simm.s32 @!p0 $0x1BF5;
	p2 =	por !p2, p0  }
0x20: {  	[sflag:s8] =	ssyncset.s32 @!p0 $0xFFFFF086;
	s6 =	sadd.s32 @!p0 s3, s7;
	s7 =	simm.s32 @!p0 $0x108  }
0x21: {  	s3 =	sadd.s32 s3, s9;
	s6 =	sadd.s32 @!p0 $0x88, s6;
	s7 =	simm.s32 @p2 $0x1082  }
0x22: {  	[simem:s7], [sflag:s8] =	dma.local @!p0 [hbm:s6], $0xF7A  }
0x23: {  	s9 =	sor.u32 $0xD0000000, s2;
	s6 =	simm.s32 $0x108;
	_ =	swait.ge @!p0 [sflag:s8], $0x0  }
0x24: {  	s3 =	sadd.s32 $0x88, s3;
	s6 =	simm.s32 @!p1 $0x1082;
	[sflag:s4] =	ssyncset.s32 $0xFFFFF086  }
0x25: {  	[simem:s6], [sflag:s4] =	dma.local [hbm:s3], $0xF7A  }
0x26: {  	[smem:$0x3F99] =	sst s1;
	(tag) =	ssettag s2;
	_ =	strace s9  }
0x27: {  	s1 =	sld [smem:$0x3FA9]  }
0x28: {  	s2 =	sld [smem:$0x3FAA]  }
0x29: {  	s4 =	sld [smem:$0x3FAC]  }
0x2a: {  	p0 =	seq.s32 s5, $0x0;
	s5 =	sld [smem:$0x3FAD]  }
0x2b: {  	s6 =	sld [smem:$0x3FAE]  }
0x2c: {  	s7 =	sld [smem:$0x3FAF]  }
0x2d: {  	s3 =	simm.s32 $0x108;
	s8 =	sld [smem:$0x3FB0]  }
0x2e: {  	s3 =	simm.s32 @!p0 $0x1082;
	s9 =	sld [smem:$0x3FB1]  }
0x2f: {  	lr =	sadd.s32 s0, s3;
	s0 =	sld [smem:$0x3FA8]  }
0x30: {  	s3 =	sld [smem:$0x3FAB]  }
0x31: {  	[smem:$0x3FB4] =	sst s10  }
0x32: {  	s10 =	sld [smem:$0x3FB2];
	_ =	sdelay $0x3  }
0x33: {  	p0 =	seq.s32 s10, $0x1;
	s10 =	sld [smem:$0x3FB4];
	_ =	sdelay $0x3  }
0x34: {  	[smem:$0x3FB4] =	sst s10  }
0x35: {  	s10 =	sld [smem:$0x3FB3];
	_ =	sdelay $0x3  }
0x36: {  	p1 =	seq.s32 s10, $0x1;
	s10 =	sld [smem:$0x3FB4];
	_ =	sdelay $0x3  }
0x37: {  	[smem:$0x3FB4] =	sst s10  }
0x38: {  	s10 =	sld [smem:$0x3FB5]  }
0x39: {  	_ = 	snop;
	(pc) =	sbr.ind lr, $3  }
0x3a: {  	_ = 	snop  }
0x3b: {  	_ = 	snop  }
0x3c: {  	p2 =	seq.s32 s10, $0x1;
	s10 =	sld [smem:$0x3FB4]  }
0x3d: {  	_ =	shalt  }
0x3e: {  	_ =	shalt  }
0x3f: {  	_ =	shalt  }
0x40: {  	_ =	shalt  }
0x41: {  	_ =	shalt  }
0x42: {  	_ =	shalt  }
0x43: {  	_ =	shalt  }
0x44: {  	_ =	shalt  }
0x45: {  	_ =	shalt  }
0x46: {  	_ =	shalt  }
0x47: {  	_ =	shalt  }
0x48: {  	_ =	shalt  }
0x49: {  	_ =	shalt  }
0x4a: {  	_ =	shalt  }
0x4b: {  	_ =	shalt  }
0x4c: {  	_ =	shalt  }
0x4d: {  	_ =	shalt  }
0x4e: {  	_ =	shalt  }
0x4f: {  	_ =	shalt  }
0x50: {  	_ =	shalt  }
0x51: {  	_ =	shalt  }
0x52: {  	_ =	shalt  }
0x53: {  	_ =	shalt  }
0x54: {  	_ =	shalt  }
0x55: {  	_ =	shalt  }
0x56: {  	_ =	shalt  }
0x57: {  	_ =	shalt  }
0x58: {  	_ =	shalt  }
0x59: {  	_ =	shalt  }
0x5a: {  	_ =	shalt  }
0x5b: {  	_ =	shalt  }
0x5c: {  	_ =	shalt  }
0x5d: {  	_ =	shalt  }
0x5e: {  	_ =	shalt  }
0x5f: {  	_ =	shalt  }
0x60: {  	_ =	shalt  }
0x61: {  	_ =	shalt  }
0x62: {  	_ =	shalt  }
0x63: {  	_ =	shalt  }
0x64: {  	_ =	shalt  }
0x65: {  	_ =	shalt  }
0x66: {  	_ =	shalt  }
0x67: {  	_ =	shalt  }
0x68: {  	_ =	shalt  }
0x69: {  	_ =	shalt  }
0x6a: {  	_ =	shalt  }
0x6b: {  	_ =	shalt  }
0x6c: {  	_ =	shalt  }
0x6d: {  	_ =	shalt  }
0x6e: {  	_ =	shalt  }
0x6f: {  	_ =	shalt  }
0x70: {  	_ =	shalt  }
0x71: {  	_ =	shalt  }
0x72: {  	_ =	shalt  }
0x73: {  	_ =	shalt  }
0x74: {  	_ =	shalt  }
0x75: {  	_ =	shalt  }
0x76: {  	_ =	shalt  }
0x77: {  	_ =	shalt  }
0x78: {  	_ =	shalt  }
0x79: {  	_ =	shalt  }
0x7a: {  	_ =	shalt  }
0x7b: {  	_ =	shalt  }
0x7c: {  	_ =	shalt  }
0x7d: {  	_ =	shalt  }
0x7e: {  	_ =	shalt  }
0x7f: {  	_ =	shalt  }
0x80: {  	_ =	shalt  }
0x81: {  	_ =	shalt  }
0x82: {  	_ =	shalt  }
0x83: {  	_ =	shalt  }
0x84: {  	_ =	shalt  }
0x85: {  	_ =	shalt  }
0x86: {  	_ =	shalt  }
0x87: {  	_ =	shalt  }
.Lfunc_end0:
.L_simem_size_0:
called_computation.3_lowered:
.L_overlay_start_0:
0x88: {  	s2 =	sld [smem:$0x3FD9]  }
0x89: {  	s3 =	sld [smem:$0x3FFE];
	_ =	sdelay $0x1  }
0x8a: {  	s1 =	srdreg.scid  }
0x8b: {  	s0 =	sand.u32 $0x1, s1  }
0x8c: {  	s17 =	sshll.u32 s0, $0xA;
	s2 =	sadd.s32 s3, s2  }
0x8d: {  	s2 =	sadd.s32 s2, s17  }
0x8e: {  	[smem:$0x3FC0] =	sst s2  }
0x8f: {  	_ = 	snop  }
0x90: {  	s2 =	sld [smem:$0x3FD0];
	(tm) =	ssettm $0x1  }
0x91: {  	s18 =	sld [smem:$0x3FFB];
	_ =	sdelay $0x3  }
0x92: {  	_ =	strace s18  }
0x93: {  	s3 =	sld [smem:$0x3FFC];
	_ =	sdelay $0x3  }
0x94: {  	_ =	strace s3  }
0x95: {  	s3 =	sld [smem:$0x3FFD];
	_ =	sdelay $0x3  }
0x96: {  	_ =	strace s3  }
0x97: {  	_ =	strace $0x8FFFFFFF  }
0x98: {  	s19 =	sld [smem:$0x3FDB];
	_ =	sdelay $0x1  }
0x99: {  	s4 =	simm.s32 $_scs_section_size  }
0x9a: {  	s5 =	simm.s32 $_size__tile_overlayer_lowered;
	s6 =	simm.s32 $_tile_overlayer_lowered  }
0x9b: {  	s22 =	simm.s32 $0x1BFF;
	s21 =	sshll.u32 s6, $0x1;
	s3 =	sadd.s32 s4, s19  }
0x9c: {  	s7 =	simm.s32 $0x0;
	s20 =	sshll.u32 s5, $0x1;
	s5 =	sadd.s32 s21, s3  }
0x9d: {  	[timem:s7], [sflag:s22] =	dma.local [hbm:s5], s20  }
0x9e: {  	_ =	swait.ge [sflag:s22], s20  }
0x9f: {  	s4 =	ssub.s32 $0x0, s20;
	[sflag:s22] =	ssyncset.done $0x0  }
0xa0: {  	[sflag:s22] =	ssyncadd.s32 s4;
	_ =	sdelay $0x1  }
0xa1: {  	s23 =	simm.s32 $0x1B8B  }
0xa2: {  	_ =	swait.ge [sflag:s23], $0x1  }
0xa3: {  	[sflag:s23] =	ssyncset.done $0x0  }
0xa4: {  	s25 =	simm.s32 $0x1B8E;
	s24 =	sld [smem:$0x3FFE];
	[sflag:s23] =	ssyncadd.s32 $0xFFFFFFFF  }
0xa5: {  	s26 =	simm.s32 $execute0_lowered;
	[smem:$0x3FD2] =	sst s25  }
0xa6: {  	s5 =	sshll.u32 s26, $0x1;
	_ =	strace $0x8000004F;
	[dreg:$0x1] =	wrdreg $0xFFFFFFFF  }
0xa7: {  	s28 =	simm.s32 $_size_execute0_lowered;
	s3 =	sadd.s32 s3, s5;
	[dreg:$0x0] =	wrdreg $0x0  }
0xa8: {  	s5 =	sshll.u32 s28, $0x1;
	[dreg:$0x2] =	wrdreg s3  }
0xa9: {  	[dreg:$0x3] =	wrdreg s5  }
0xaa: {  	[dreg:$0x4] =	wrdreg $0xC0  }
0xab: {  	_ =	task [dreg:s7], $0x5FFFF  }
0xac: {  	[dreg:$0x1] =	wrdreg $0xFFFFFFFF  }
0xad: {  	[dreg:$0x0] =	wrdreg $0x60  }
0xae: {  	[dreg:$0x2] =	wrdreg s2  }
0xaf: {  	[dreg:$0x3] =	wrdreg s24  }
0xb0: {  	[dreg:$0x4] =	wrdreg $0xB7800  }
0xb1: {  	[dreg:$0x5] =	wrdreg $0x9  }
0xb2: {  	_ =	task.clear_ibuf [dreg:s7], $0x6FFFF;
	_ =	strace $0x9000004F  }
0xb3: {  	s29 =	simm.s32 $0x9;
	_ =	strace $0x80000051  }
0xb4: {  	_ =	swait.ge [sflag:s29], $0x1  }
0xb5: {  	[sflag:s29] =	ssyncadd.s32 $0xFFFFFFFF  }
0xb6: {  	_ =	strace $0x90000051  }
0xb7: {  	_ =	sfence  }
0xb8: {  	s30 =	sld [smem:$0x0];
	_ =	sdelay $0x2  }
0xb9: {  	s31 =	sshll.u32 s1, $0xD;
	s1 =	sshrl.u32 s1, $0x2  }
0xba: {  	s3 =	sand.u32 $0x4000, s31;
	s1 =	sadd.s32 s1, s30  }
0xbb: {  	s0 =	sor.u32 s3, s0;
	s1 =	sshll.u32 s1, $0x11  }
0xbc: {  	s0 =	sor.u32 s1, s0  }
0xbd: {  	s0 =	sadd.s32 $0x8F2B, s0  }
0xbe: {  	[sflag:s0] =	ssyncadd.remote.s32 $0x1  }
0xbf: {  	_ =	sfence.sel $0xFFFF  }
0xc0: {  	[dreg:$0x0] =	wrdreg $0xFFFFFFFF;
	(pc) =	sbr.abs _section_cstart, $3  }
0xc1: {  	[dreg:$0x1] =	wrdreg $0xFFFFFFFF  }
0xc2: {  	_ =	task.clear_ibuf [dreg:s7], $0x2FFFF;
	_ =	strace $0x9FFFFFFF  }
0xc3: {  	(tm) =	ssettm $0x7FFFFFFF  }
tec
execute0_lowered:
.L_overlay_start_1:
0x0: {  	(tag) =	ssettag $0x1  }
0x1: {  	s1 =	rddreg [dreg:$0x0]  }
0x2: {  	s2 =	srdreg.scid;
	s7 =	rddreg [dreg:$0x1]  }
0x3: {  	s0 =	stileid.u32;
	s3 =	rddreg [dreg:$0x2]  }
0x4: {  	s4 =	simm.s32 $0x0;
	s14 =	simm.s32 $0x50;
	s15 =	simm.s32 $0x6780  }
0x5: {  	s16 =	simm.s32 $0x8F80;
	s17 =	simm.s32 $0x1;
	s18 =	simm.s32 $0x2  }
0x6: {  	s19 =	simm.s32 $0x6580;
	s20 =	simm.s32 $0x0;
	s6 =	sand.u32 $0x1, s2  }
0x7: {  	s28 =	sshll.u32 s0, $0x1;
	s2 =	rddreg [dreg:$0x3];
	s10 =	smul.u32 $0x13C00, s0  }
0x8: {  	[smem:$0x7FF] =	sst s4;
	s29 =	smul.u32 $0x4E200, s0;
	s31 =	sshll.u32 s0, $0x6  }
0x9: {  	s5 =	sor.u32 s6, s28;
	s9 =	smul.u32 $0x13C000, s6;
	_ =	strace $0x80000050  }
0xa: {  	s6 =	ssub.s32 $0x2, s6;
	s8 =	smul.u32 $0x4E2, s5;
	s5 =	sshll.u32 s5, $0xB  }
0xb: {  	s30 =	sshrl.u32 s6, $0x1;
	s11 =	sadd.s32 s5, s7;
	s9 =	sadd.s32 s10, s9  }
0xc: {  	s5 =	sadd.s32 $0x1CA00, s7;
	s10 =	sshrl.u32 s29, $0x2;
	s12 =	ssub.s32 s6, s30  }
0xd: {  	s6 =	sor.u32 $0x1C03, s31;
	s8 =	sadd.s32 s8, s7;
	s9 =	sshrl.u32 s9, $0x3  }
0xe: {  	s13 =	sadd.s32 s10, s3;
	s10 =	smax.u32 s12, $0x1;
	s12 =	simm.s32 $0x3  }
0xf: {  	s9 =	sadd.s32 s9, s7;
	s7 =	sadd.s32 $0x2C00, s8;
	s8 =	sadd.s32 $0xCA00, s11  }
0x10: {  	s11 =	sshrl.u32 s13, $0x3;
	s13 =	simm.s32 $0x2780;
	s9 =	sadd.s32 $0x1F200, s9  }
.LBB2_1:
0x11: {  	[spmem:s11], [sflag:s6] =	dma.local [hbm:s5], $0x2710  }
0x12: {  	_ =	swait.ge [sflag:s12], $0x2710  }
0x13: {  	[sflag:s12] =	ssyncset.done $0x0  }
0x14: {  	[sflag:s12] =	ssyncadd.s32 $0xFFFFD8F0  }
0x15: {  	[tilespmem:s4], [sflag:$0x3] =	stream.linear.gather [hbm4b:s7+s4], $0x2710, $0x38;
	[tilespmem:$0x1F000] =	vst v63  }
0x16: {  	_ =	swait.ge [sflag:s12], $0x2710  }
0x17: {  	[sflag:s12] =	ssyncset.done $0x0  }
0x18: {  	[sflag:s12] =	ssyncadd.s32 $0xFFFFD8F0  }
0x19: {  	[tilespmem:s13], [sflag:$0x3] =	stream.linear.gather [hbm4b:s8+s4], $0x3E80, $0x38;
	[tilespmem:$0x1F000] =	vst v63  }
0x1a: {  	_ =	swait.ge [sflag:s12], $0x3E80  }
0x1b: {  	[sflag:s12] =	ssyncset.done $0x0  }
0x1c: {  	[sflag:s12] =	ssyncadd.s32 $0xFFFFC180  }
0x1d: {  	[bflag:$0x0] =	sbarrier.arrive $0xFFFF  }
0x1e: {  	[tilespmem:s15], [sflag:$0x1] =	stream.indirect.gather [hbm4b:s1+s14], $0x80, s4, s14, $0xb8;
	[tilespmem:$0x1F000] =	vst v63  }
0x1f: {  	s21 =	simm.s32 $0x50  }
0x20: {  	[tilespmem:s16], [sflag:$0x2] =	stream.indirect.gather [hbm4b:s1+s14], $0x80, s21, s14, $0xb8;
	[tilespmem:$0x1F000] =	vst v63  }
0x21: {  	_ =	swait.ge [sflag:s17], $0x2800  }
0x22: {  	[sflag:s17] =	ssyncset.done $0x0  }
0x23: {  	s29 =	simm.s32 $0x2780;
	[sflag:s17] =	ssyncadd.s32 $0xFFFFD800  }
0x24: {  	[spmem:s3] =	stream.indirect.scatter.add.f32 [tilespmem:s15], [sflag:$0x3], $0x80, s29, s14, $0xb8;
	[tilespmem:$0x1F000] =	vst v63  }
0x25: {  	_ =	swait.ge [sflag:s12], $0x2800  }
0x26: {  	[sflag:s12] =	ssyncset.done $0x0  }
0x27: {  	s30 =	simm.s32 $0xA0;
	[sflag:s12] =	ssyncadd.s32 $0xFFFFD800  }
0x28: {  	[tilespmem:s15], [sflag:$0x1] =	stream.indirect.gather [hbm4b:s1+s14], $0x80, s30, s14, $0xb8;
	[tilespmem:$0x1F000] =	vst v63  }
0x29: {  	_ =	swait.ge [sflag:s18], $0x2800  }
0x2a: {  	[sflag:s18] =	ssyncset.done $0x0  }
0x2b: {  	s31 =	simm.s32 $0x2800;
	[sflag:s18] =	ssyncadd.s32 $0xFFFFD800  }
0x2c: {  	[spmem:s3] =	stream.indirect.scatter.add.f32 [tilespmem:s16], [sflag:$0x3], $0x80, s31, s14, $0xb8;
	[tilespmem:$0x1F000] =	vst v63  }
0x2d: {  	s22 =	simm.s32 $0x400;
	_ =	swait.ge [sflag:s12], $0x2800  }
0x2e: {  	s23 =	simm.s32 $0x800;
	s21 =	simm.s32 $0x140;
	[sflag:s12] =	ssyncset.done $0x0  }
.LBB2_2:
0x2f: {  	p0 =	sne.s32 s23, $0xF400;
	s24 =	sadd.s32 $0xFFFFFFB0, s21;
	[sflag:s12] =	ssyncadd.s32 $0xFFFFD800  }
0x30: {  	[tilespmem:s16], [sflag:$0x2] =	stream.indirect.gather [hbm4b:s1+s14], $0x80, s24, s14, $0xb8;
	[tilespmem:$0x1F000] =	vst v63  }
0x31: {  	s24 =	smov.u32 s23;
	s23 =	sadd.s32 $0x400, s23;
	_ =	swait.ge [sflag:s17], $0x2800  }
0x32: {  	s25 =	sshra.s32 s22, $0x2;
	s22 =	smov.u32 s24;
	[sflag:s17] =	ssyncset.done $0x0  }
0x33: {  	s24 =	sadd.s32 $0x2780, s25;
	[sflag:s17] =	ssyncadd.s32 $0xFFFFD800  }
0x34: {  	[spmem:s3] =	stream.indirect.scatter.add.f32 [tilespmem:s15], [sflag:$0x3], $0x80, s24, s14, $0xb8;
	[tilespmem:$0x1F000] =	vst v63  }
0x35: {  	_ =	swait.ge [sflag:s12], $0x2800  }
0x36: {  	[sflag:s12] =	ssyncset.done $0x0  }
0x37: {  	[sflag:s12] =	ssyncadd.s32 $0xFFFFD800  }
0x38: {  	[tilespmem:s15], [sflag:$0x1] =	stream.indirect.gather [hbm4b:s1+s14], $0x80, s21, s14, $0xb8;
	[tilespmem:$0x1F000] =	vst v63  }
0x39: {  	_ =	swait.ge [sflag:s18], $0x2800  }
.Ltmp0:
0x3a: {  	[sflag:s18] =	ssyncset.done $0x0;
	(pc) =	sbr.rel @p0 .LBB2_2-.Ltmp0, $4  }
0x3b: {  	s24 =	sadd.s32 $0x2800, s25;
	[sflag:s18] =	ssyncadd.s32 $0xFFFFD800  }
0x3c: {  	[spmem:s3] =	stream.indirect.scatter.add.f32 [tilespmem:s16], [sflag:$0x3], $0x80, s24, s14, $0xb8;
	[tilespmem:$0x1F000] =	vst v63  }
0x3d: {  	_ =	swait.ge [sflag:s12], $0x2800  }
0x3e: {  	s21 =	sadd.s32 $0xA0, s21;
	[sflag:s12] =	ssyncset.done $0x0  }
0x3f: {  	s23 =	sadd.s32 $0xFFFFFFB0, s21;
	[sflag:s12] =	ssyncadd.s32 $0xFFFFD800  }
0x40: {  	[tilespmem:s16], [sflag:$0x2] =	stream.indirect.gather [hbm4b:s1+s14], $0x80, s23, s14, $0xb8;
	[tilespmem:$0x1F000] =	vst v63  }
0x41: {  	_ =	swait.ge [sflag:s17], $0x2800  }
0x42: {  	s22 =	sshra.s32 s22, $0x2;
	[sflag:s17] =	ssyncset.done $0x0  }
0x43: {  	s30 =	sadd.s32 $0x2780, s22;
	[sflag:s17] =	ssyncadd.s32 $0xFFFFD800  }
0x44: {  	[spmem:s3] =	stream.indirect.scatter.add.f32 [tilespmem:s15], [sflag:$0x3], $0x80, s30, s14, $0xb8;
	[tilespmem:$0x1F000] =	vst v63  }
0x45: {  	_ =	swait.ge [sflag:s12], $0x2800  }
0x46: {  	[sflag:s12] =	ssyncset.done $0x0  }
0x47: {  	[sflag:s12] =	ssyncadd.s32 $0xFFFFD800  }
0x48: {  	[tilespmem:s15], [sflag:$0x1] =	stream.indirect.gather [hbm4b:s1+s14], $0x80, s21, s14, $0xb8;
	[tilespmem:$0x1F000] =	vst v63  }
0x49: {  	_ =	swait.ge [sflag:s18], $0x2800  }
0x4a: {  	[sflag:s18] =	ssyncset.done $0x0  }
0x4b: {  	s31 =	sadd.s32 $0x2800, s22;
	[sflag:s18] =	ssyncadd.s32 $0xFFFFD800  }
0x4c: {  	[spmem:s3] =	stream.indirect.scatter.add.f32 [tilespmem:s16], [sflag:$0x3], $0x80, s31, s14, $0xb8;
	[tilespmem:$0x1F000] =	vst v63  }
0x4d: {  	_ =	swait.ge [sflag:s12], $0x2800  }
0x4e: {  	[sflag:s12] =	ssyncset.done $0x0  }
0x4f: {  	[sflag:s12] =	ssyncadd.s32 $0xFFFFD800  }
0x50: {  	_ =	swait.ge [sflag:s17], $0x2800  }
0x51: {  	[sflag:s17] =	ssyncset.done $0x0  }
0x52: {  	[sflag:s17] =	ssyncadd.s32 $0xFFFFD800  }
0x53: {  	[spmem:s3] =	stream.indirect.scatter.add.f32 [tilespmem:s15], [sflag:$0x3], $0x80, s19, s14, $0xb8;
	[tilespmem:$0x1F000] =	vst v63  }
0x54: {  	_ =	swait.ge [sflag:s12], $0x2800  }
0x55: {  	s20 =	sadd.s32 $0x1, s20;
	[sflag:s12] =	ssyncset.done $0x0  }
0x56: {  	p0 =	sne.s32 s20, s10;
	[sflag:s12] =	ssyncadd.s32 $0xFFFFD800  }
.Ltmp1:
0x57: {  	[bflag:$0x0] =	sbarrier.arrive $0xFFFF;
	(pc) =	sbr.rel @p0 .LBB2_1-.Ltmp1, $4  }
0x58: {  	[hbm:s9], [sflag:s6] =	dma.local [spmem:s11], $0x2710  }
0x59: {  	_ =	swait.ge [sflag:s12], $0x2710  }
0x5a: {  	[sflag:s12] =	ssyncset.done $0x0  }
0x5b: {  	[sflag:s12] =	ssyncadd.s32 $0xFFFFD8F0  }
0x5c: {  	_ =	sfence.sel $0x180000  }
0x5d: {  	[bflag:$0x0] =	sbarrier.arrive $0xFFFF  }
0x5e: {  	p0 =	sne.s32 s0, $0x0;
	_ =	strace $0x90000050  }
0x5f: {  	s0 =	sadd.s32 @!p0 $0x100000, s2;
	[bflag:$0x2] =	sbarrier.arrive $0xFFFF  }
0x60: {  	[sflag:s0] =	ssyncadd.tile.s32 @!p0 $0x1;
	_ =	shalt  }
.Lfunc_end2:
_tile_overlayer_lowered:
.L_overlay_start_2:
0x61: {  	(tag) =	ssettag $0x2  }
0x62: {  	s0 =	rddreg [dreg:$0x0];
	s2 =	stileid.u32  }
0x63: {  	s1 =	rddreg [dreg:$0x1];
	p0 =	sne.s32 s2, $0x0  }
0x64: {  	s3 =	rddreg [dreg:$0x2];
	[bflag:$0x3] =	sbarrier.arrive $0xFFFF;
	s2 =	simm.s32 @!p0 $0x1C03  }
0x65: {  	[timem:s3], [sflag:s2] =	dma.local @!p0 [hbm:s0], s1  }
0x66: {  	s0 =	simm.s32 @!p0 $0x3  }
0x67: {  	_ =	swait.ge @!p0 [sflag:s0], s1  }
0x68: {  	s1 =	ssub.s32 @!p0 $0x0, s1;
	[sflag:s0] =	ssyncset.done @!p0 $0x0  }
0x69: {  	[sflag:s0] =	ssyncadd.s32 @!p0 s1  }
0x6a: {  	[bflag:$0x3] =	sbarrier.arrive $0xFFFF  }
0x6b: {  	_ =	shalt  }

</sc_bundles>
